<compile_context>
chip_gen: v7x
topology: tpu7x:2x2x1
jax: 0.10.2.dev20260603
libtpu: 0.0.44.dev20260713+nightly
codegen_flags: <defaults>
</compile_context>

<pallas_src>
import functools

import jax
import jax.numpy as jnp
from jax import lax
from jax.experimental import pallas as pl
from jax.experimental.pallas import tpu as pltpu
from jax.experimental.pallas import tpu_sc as plsc

D_MODEL = 64
SEQ = 50
BATCH = 4096
VOCAB = 1000001
NUM_CORES = 2
NUM_SUBCORES = 16
NW = NUM_CORES * NUM_SUBCORES
B_PER_W = BATCH // NW
CPB = 8
NCHUNK = B_PER_W // CPB
CROWS = CPB * SEQ
LANES = 16
NVEC = CROWS // LANES
DPARTS = D_MODEL // LANES

TBLK = 512
TGRID = (VOCAB + TBLK - 1) // TBLK


def _transpose_body(in_ref, o_ref):
    o_ref[...] = in_ref[...].T


_tc_transpose = pl.pallas_call(
    _transpose_body,
    grid=(TGRID,),
    in_specs=[pl.BlockSpec((D_MODEL, TBLK), lambda i: (0, i))],
    out_specs=pl.BlockSpec((TBLK, D_MODEL), lambda i: (i, 0)),
    out_shape=jax.ShapeDtypeStruct((VOCAB, D_MODEL), jnp.float32),
)

_mesh = plsc.VectorSubcoreMesh(core_axis_name="c", subcore_axis_name="s")


@functools.partial(
    pl.kernel,
    out_type=jax.ShapeDtypeStruct((BATCH, SEQ, D_MODEL), jnp.float32),
    mesh=_mesh,
    scratch_types=[
        pltpu.VMEM((CROWS,), jnp.int32),
        pltpu.VMEM((CROWS, D_MODEL), jnp.float32),
        pltpu.VMEM((SEQ * D_MODEL,), jnp.float32),
        pltpu.SemaphoreType.DMA,
    ],
)
def _stay_embedding(codes_hbm, table_hbm, pe_hbm, out_hbm, idx_v, buf, pe_v, sem):
    wid = lax.axis_index("s") * NUM_CORES + lax.axis_index("c")
    pltpu.sync_copy(pe_hbm, pe_v)

    def chunk_body(ci, carry):
        b0 = wid * B_PER_W + ci * CPB
        pltpu.sync_copy(codes_hbm.at[pl.ds(b0 * SEQ, CROWS)], idx_v)

        def fire_group(g, c2):
            vec = idx_v[pl.ds(g * LANES, LANES)]
            slot = g * LANES
            for j in range(LANES):
                code = vec[j]
                pltpu.make_async_copy(
                    table_hbm.at[code], buf.at[slot + j], sem
                ).start()
            return c2

        lax.fori_loop(0, NVEC, fire_group, 0)

        def drain_row(j, c2):
            pltpu.make_async_copy(table_hbm.at[0], buf.at[0], sem).wait()
            return c2

        lax.fori_loop(0, CROWS, drain_row, 0)

        def pe_body(t, c2):
            for dp in range(DPARTS):
                pe_vec = pe_v[pl.ds(t * D_MODEL + dp * LANES, LANES)]
                for bi in range(CPB):
                    plsc.addupdate(
                        buf.at[bi * SEQ + t, pl.ds(dp * LANES, LANES)], pe_vec
                    )
            return c2

        lax.fori_loop(0, SEQ, pe_body, 0)
        for bb in range(CPB):
            pltpu.sync_copy(buf.at[pl.ds(bb * SEQ, SEQ)], out_hbm.at[b0 + bb])
        return carry

    lax.fori_loop(0, NCHUNK, chunk_body, 0)


def kernel(codes, table, pe):
    table_r = _tc_transpose(table.T)
    codes_flat = codes.reshape(BATCH * SEQ)
    pe_flat = pe[:SEQ].reshape(SEQ * D_MODEL)
    return _stay_embedding(codes_flat, table_r, pe_flat)

# --- scband reference (transcript-rebuilt; emitter-appended) ---
"""Pipeline reference for scband-stay-embedding-82471962017795 (READ-ONLY COPY).

The authoritative reference and input builder live on the scoring server;
editing this copy changes nothing except your own understanding.
"""

import jax, jax.numpy as jnp
import numpy as np
import math

D_MODEL = 64
MAX_LEN = 150
NUM_TOKENS = 1000000
BATCH = 4096
SEQ = 50


def _build_time_encoding():
    position = np.arange(MAX_LEN, dtype=np.float64)[:, None]
    div_term = np.exp(np.arange(0, D_MODEL, 2, dtype=np.float64) * (-math.log(10000.0) / D_MODEL))
    pe = np.zeros((MAX_LEN, D_MODEL), dtype=np.float64)
    pe[:, 0::2] = np.sin(position * div_term)
    pe[:, 1::2] = np.cos(position * div_term)
    return jnp.asarray(pe, dtype=jnp.float32)


def setup_inputs(seed: int = 0) -> dict:
    key = jax.random.key(seed)
    k_codes, k_tab = jax.random.split(key)
    codes = jax.random.randint(k_codes, (BATCH, SEQ), 0, NUM_TOKENS + 1, dtype=jnp.int32)
    # nn.Embedding(1 + num_tokens, d_model, padding_idx=0): row 0 initialized to zeros
    table = jax.random.normal(k_tab, (NUM_TOKENS + 1, D_MODEL), dtype=jnp.float32)
    table = table.at[0].set(0.0)
    pe = _build_time_encoding()
    return {"codes": codes, "table": table, "pe": pe}


def reference(codes, table, pe):
    batch_size, n_timesteps = codes.shape
    code_embedding = jnp.take(table, codes, axis=0)          # [B, T, D] gather
    time_embedding = pe[:n_timesteps, :]                      # [T, D]
    time_embedding = jnp.broadcast_to(time_embedding[None, :, :], (batch_size, n_timesteps, D_MODEL))
    x = code_embedding + time_embedding
    return x

if __name__ == "__main__":
    import jax
    _d = setup_inputs()
    print(jax.jit(kernel)(*tuple(_d.values())))

</pallas_src>

<mosaic_0001>
#map = affine_map<(d0, d1) -> (0)>
#map1 = affine_map<(d0, d1) -> (0, 0)>
#map2 = affine_map<(d0, d1) -> (0, 0, 0)>
module attributes {stable_mosaic.version = 14 : i64} {
  func.func @_stay_embedding(%arg0: i32, %arg1: i32, %arg2: memref<204800xi32, #tpu.memory_space<hbm>>, %arg3: memref<1000001x64xf32, #tpu.memory_space<hbm>>, %arg4: memref<3200xf32, #tpu.memory_space<hbm>>, %arg5: memref<4096x50x64xf32, #tpu.memory_space<hbm>>, %arg6: memref<400xi32, #tpu.memory_space<vmem>>, %arg7: memref<400x64xf32, #tpu.memory_space<vmem>>, %arg8: memref<3200xf32, #tpu.memory_space<vmem>>, %arg9: memref<!tpu.dma_semaphore, #tpu.memory_space<semaphore_mem>>) attributes {dimension_semantics = [#tpu.dimension_semantics<core_parallel>, #tpu.dimension_semantics<subcore_parallel>], iteration_bounds = array<i64: 2, 16>, scalar_prefetch = 0 : i64, scratch_operands = 4 : i64, tpu.core_type = #tpu.core_type<sc_vector_subcore>, window_params = [{transform_indices = #map}, {transform_indices = #map1}, {transform_indices = #map}, {transform_indices = #map2}]} {
    %mul3A = arith.constant 2 : i32
    %mul3A_0 = arith.muli %arg1, %mul3A : i32
    %add3A = arith.addi %mul3A_0, %arg0 : i32
    "tpu.region"() ({
      %run_scoped3A = tpu.sem_alloc : memref<!tpu.dma_semaphore, #tpu.memory_space<semaphore_mem>>
      tpu.enqueue_dma source(%arg4 : memref<3200xf32, #tpu.memory_space<hbm>>) target(%arg8 : memref<3200xf32, #tpu.memory_space<vmem>>) target_semaphore(%run_scoped3A : memref<!tpu.dma_semaphore, #tpu.memory_space<semaphore_mem>>)
      tpu.wait_dma2 semaphore(%run_scoped3A : memref<!tpu.dma_semaphore, #tpu.memory_space<semaphore_mem>>) src(%arg4 : memref<3200xf32, #tpu.memory_space<hbm>>) dst(%arg8 : memref<3200xf32, #tpu.memory_space<vmem>>)
      tpu.yield
    }) : () -> ()
    %scan3A = arith.constant 0 : i32
    %scan3A_1 = arith.constant 0 : i32
    %scan3A_2 = arith.constant 16 : i32
    %scan3A_3 = arith.addi %scan3A_1, %scan3A_2 : i32
    %scan3A_4 = arith.constant 1 : i32
    scf.for %scan3A_6 = %scan3A_1 to %scan3A_3 step %scan3A_4  : i32 {
      %mul3A_7 = arith.constant 128 : i32
      %mul3A_8 = arith.muli %add3A, %mul3A_7 : i32
      %mul3A_9 = arith.constant 8 : i32
      %mul3A_10 = arith.muli %scan3A_6, %mul3A_9 : i32
      %add3A_11 = arith.addi %mul3A_8, %mul3A_10 : i32
      %mul3A_12 = arith.constant 50 : i32
      %mul3A_13 = arith.muli %add3A_11, %mul3A_12 : i32
      "tpu.region"() ({
        %run_scoped3A = tpu.sem_alloc : memref<!tpu.dma_semaphore, #tpu.memory_space<semaphore_mem>>
        %dma_start3A = tpu.memref_slice %arg2[%mul3A_13] : memref<204800xi32, #tpu.memory_space<hbm>> -> memref<400xi32, #tpu.memory_space<hbm>>
        %dma_start3A_48 = tpu.memref_slice %arg2[%mul3A_13] : memref<204800xi32, #tpu.memory_space<hbm>> -> memref<400xi32, #tpu.memory_space<hbm>>
        tpu.enqueue_dma source(%dma_start3A_48 : memref<400xi32, #tpu.memory_space<hbm>>) target(%arg6 : memref<400xi32, #tpu.memory_space<vmem>>) target_semaphore(%run_scoped3A : memref<!tpu.dma_semaphore, #tpu.memory_space<semaphore_mem>>)
        %dma_wait3A = tpu.memref_slice %arg2[%mul3A_13] : memref<204800xi32, #tpu.memory_space<hbm>> -> memref<400xi32, #tpu.memory_space<hbm>>
        %dma_wait3A_49 = tpu.memref_slice %arg2[%mul3A_13] : memref<204800xi32, #tpu.memory_space<hbm>> -> memref<400xi32, #tpu.memory_space<hbm>>
        tpu.wait_dma2 semaphore(%run_scoped3A : memref<!tpu.dma_semaphore, #tpu.memory_space<semaphore_mem>>) src(%dma_wait3A_49 : memref<400xi32, #tpu.memory_space<hbm>>) dst(%arg6 : memref<400xi32, #tpu.memory_space<vmem>>)
        tpu.yield
      }) : () -> ()
      %scan3A_14 = arith.constant 0 : i32
      %scan3A_15 = arith.constant 0 : i32
      %scan3A_16 = arith.constant 25 : i32
      %scan3A_17 = arith.addi %scan3A_15, %scan3A_16 : i32
      %scan3A_18 = arith.constant 1 : i32
      scf.for %scan3A_48 = %scan3A_15 to %scan3A_17 step %scan3A_18  : i32 {
        %mul3A_49 = arith.constant 16 : i32
        %mul3A_50 = arith.muli %scan3A_48, %mul3A_49 : i32
        %get3A = arith.index_cast %mul3A_50 : i32 to index
        %get3A_51 = tpu.vector_load %arg6[%get3A] {strides = array<i32>} : memref<400xi32, #tpu.memory_space<vmem>>, vector<16xi32>,
        %get3A_52 = vector.shape_cast %get3A_51 : vector<16xi32> to vector<16xi32>
        %mul3A_53 = arith.constant 16 : i32
        %mul3A_54 = arith.muli %scan3A_48, %mul3A_53 : i32
        %slice3A = vector.extract_strided_slice %get3A_52 {offsets = [0], sizes = [1], strides = [1]} : vector<16xi32> to vector<1xi32>
        %squeeze3A = vector.extract %slice3A[0] : i32 from vector<1xi32>
        %add3A_55 = arith.constant 0 : i32
        %add3A_56 = arith.addi %mul3A_54, %add3A_55 : i32
        %dma_start3A = arith.constant 0 : i32
        %dma_start3A_57 = tpu.memref_slice %arg7[%add3A_56, %dma_start3A] : memref<400x64xf32, #tpu.memory_space<vmem>> -> memref<1x64xf32, #tpu.memory_space<vmem>>
        %dma_start3A_58 = tpu.memref_squeeze %dma_start3A_57 : memref<1x64xf32, #tpu.memory_space<vmem>> -> memref<64xf32, #tpu.memory_space<vmem>>
        %dma_start3A_59 = arith.constant 0 : i32
        %dma_start3A_60 = tpu.memref_slice %arg3[%squeeze3A, %dma_start3A_59] : memref<1000001x64xf32, #tpu.memory_space<hbm>> -> memref<1x64xf32, #tpu.memory_space<hbm>>
        %dma_start3A_61 = tpu.memref_squeeze %dma_start3A_60 : memref<1x64xf32, #tpu.memory_space<hbm>> -> memref<64xf32, #tpu.memory_space<hbm>>
        %dma_start3A_62 = arith.constant 0 : i32
        %dma_start3A_63 = tpu.memref_slice %arg7[%add3A_56, %dma_start3A_62] : memref<400x64xf32, #tpu.memory_space<vmem>> -> memref<1x64xf32, #tpu.memory_space<vmem>>
        %dma_start3A_64 = tpu.memref_squeeze %dma_start3A_63 : memref<1x64xf32, #tpu.memory_space<vmem>> -> memref<64xf32, #tpu.memory_space<vmem>>
        %dma_start3A_65 = arith.constant 0 : i32
        %dma_start3A_66 = tpu.memref_slice %arg3[%squeeze3A, %dma_start3A_65] : memref<1000001x64xf32, #tpu.memory_space<hbm>> -> memref<1x64xf32, #tpu.memory_space<hbm>>
        %dma_start3A_67 = tpu.memref_squeeze %dma_start3A_66 : memref<1x64xf32, #tpu.memory_space<hbm>> -> memref<64xf32, #tpu.memory_space<hbm>>
        tpu.enqueue_dma source(%dma_start3A_67 : memref<64xf32, #tpu.memory_space<hbm>>) target(%dma_start3A_64 : memref<64xf32, #tpu.memory_space<vmem>>) target_semaphore(%arg9 : memref<!tpu.dma_semaphore, #tpu.memory_space<semaphore_mem>>)
        %slice3A_68 = vector.extract_strided_slice %get3A_52 {offsets = [1], sizes = [1], strides = [1]} : vector<16xi32> to vector<1xi32>
        %squeeze3A_69 = vector.extract %slice3A_68[0] : i32 from vector<1xi32>
        %add3A_70 = arith.constant 1 : i32
        %add3A_71 = arith.addi %mul3A_54, %add3A_70 : i32
        %dma_start3A_72 = arith.constant 0 : i32
        %dma_start3A_73 = tpu.memref_slice %arg7[%add3A_71, %dma_start3A_72] : memref<400x64xf32, #tpu.memory_space<vmem>> -> memref<1x64xf32, #tpu.memory_space<vmem>>
        %dma_start3A_74 = tpu.memref_squeeze %dma_start3A_73 : memref<1x64xf32, #tpu.memory_space<vmem>> -> memref<64xf32, #tpu.memory_space<vmem>>
        %dma_start3A_75 = arith.constant 0 : i32
        %dma_start3A_76 = tpu.memref_slice %arg3[%squeeze3A_69, %dma_start3A_75] : memref<1000001x64xf32, #tpu.memory_space<hbm>> -> memref<1x64xf32, #tpu.memory_space<hbm>>
        %dma_start3A_77 = tpu.memref_squeeze %dma_start3A_76 : memref<1x64xf32, #tpu.memory_space<hbm>> -> memref<64xf32, #tpu.memory_space<hbm>>
        %dma_start3A_78 = arith.constant 0 : i32
        %dma_start3A_79 = tpu.memref_slice %arg7[%add3A_71, %dma_start3A_78] : memref<400x64xf32, #tpu.memory_space<vmem>> -> memref<1x64xf32, #tpu.memory_space<vmem>>
        %dma_start3A_80 = tpu.memref_squeeze %dma_start3A_79 : memref<1x64xf32, #tpu.memory_space<vmem>> -> memref<64xf32, #tpu.memory_space<vmem>>
        %dma_start3A_81 = arith.constant 0 : i32
        %dma_start3A_82 = tpu.memref_slice %arg3[%squeeze3A_69, %dma_start3A_81] : memref<1000001x64xf32, #tpu.memory_space<hbm>> -> memref<1x64xf32, #tpu.memory_space<hbm>>
        %dma_start3A_83 = tpu.memref_squeeze %dma_start3A_82 : memref<1x64xf32, #tpu.memory_space<hbm>> -> memref<64xf32, #tpu.memory_space<hbm>>
        tpu.enqueue_dma source(%dma_start3A_83 : memref<64xf32, #tpu.memory_space<hbm>>) target(%dma_start3A_80 : memref<64xf32, #tpu.memory_space<vmem>>) target_semaphore(%arg9 : memref<!tpu.dma_semaphore, #tpu.memory_space<semaphore_mem>>)
        %slice3A_84 = vector.extract_strided_slice %get3A_52 {offsets = [2], sizes = [1], strides = [1]} : vector<16xi32> to vector<1xi32>
        %squeeze3A_85 = vector.extract %slice3A_84[0] : i32 from vector<1xi32>
        %add3A_86 = arith.constant 2 : i32
        %add3A_87 = arith.addi %mul3A_54, %add3A_86 : i32
        %dma_start3A_88 = arith.constant 0 : i32
        %dma_start3A_89 = tpu.memref_slice %arg7[%add3A_87, %dma_start3A_88] : memref<400x64xf32, #tpu.memory_space<vmem>> -> memref<1x64xf32, #tpu.memory_space<vmem>>
        %dma_start3A_90 = tpu.memref_squeeze %dma_start3A_89 : memref<1x64xf32, #tpu.memory_space<vmem>> -> memref<64xf32, #tpu.memory_space<vmem>>
        %dma_start3A_91 = arith.constant 0 : i32
        %dma_start3A_92 = tpu.memref_slice %arg3[%squeeze3A_85, %dma_start3A_91] : memref<1000001x64xf32, #tpu.memory_space<hbm>> -> memref<1x64xf32, #tpu.memory_space<hbm>>
        %dma_start3A_93 = tpu.memref_squeeze %dma_start3A_92 : memref<1x64xf32, #tpu.memory_space<hbm>> -> memref<64xf32, #tpu.memory_space<hbm>>
        %dma_start3A_94 = arith.constant 0 : i32
        %dma_start3A_95 = tpu.memref_slice %arg7[%add3A_87, %dma_start3A_94] : memref<400x64xf32, #tpu.memory_space<vmem>> -> memref<1x64xf32, #tpu.memory_space<vmem>>
        %dma_start3A_96 = tpu.memref_squeeze %dma_start3A_95 : memref<1x64xf32, #tpu.memory_space<vmem>> -> memref<64xf32, #tpu.memory_space<vmem>>
        %dma_start3A_97 = arith.constant 0 : i32
        %dma_start3A_98 = tpu.memref_slice %arg3[%squeeze3A_85, %dma_start3A_97] : memref<1000001x64xf32, #tpu.memory_space<hbm>> -> memref<1x64xf32, #tpu.memory_space<hbm>>
        %dma_start3A_99 = tpu.memref_squeeze %dma_start3A_98 : memref<1x64xf32, #tpu.memory_space<hbm>> -> memref<64xf32, #tpu.memory_space<hbm>>
        tpu.enqueue_dma source(%dma_start3A_99 : memref<64xf32, #tpu.memory_space<hbm>>) target(%dma_start3A_96 : memref<64xf32, #tpu.memory_space<vmem>>) target_semaphore(%arg9 : memref<!tpu.dma_semaphore, #tpu.memory_space<semaphore_mem>>)
        %slice3A_100 = vector.extract_strided_slice %get3A_52 {offsets = [3], sizes = [1], strides = [1]} : vector<16xi32> to vector<1xi32>
        %squeeze3A_101 = vector.extract %slice3A_100[0] : i32 from vector<1xi32>
        %add3A_102 = arith.constant 3 : i32
        %add3A_103 = arith.addi %mul3A_54, %add3A_102 : i32
        %dma_start3A_104 = arith.constant 0 : i32
        %dma_start3A_105 = tpu.memref_slice %arg7[%add3A_103, %dma_start3A_104] : memref<400x64xf32, #tpu.memory_space<vmem>> -> memref<1x64xf32, #tpu.memory_space<vmem>>
        %dma_start3A_106 = tpu.memref_squeeze %dma_start3A_105 : memref<1x64xf32, #tpu.memory_space<vmem>> -> memref<64xf32, #tpu.memory_space<vmem>>
        %dma_start3A_107 = arith.constant 0 : i32
        %dma_start3A_108 = tpu.memref_slice %arg3[%squeeze3A_101, %dma_start3A_107] : memref<1000001x64xf32, #tpu.memory_space<hbm>> -> memref<1x64xf32, #tpu.memory_space<hbm>>
        %dma_start3A_109 = tpu.memref_squeeze %dma_start3A_108 : memref<1x64xf32, #tpu.memory_space<hbm>> -> memref<64xf32, #tpu.memory_space<hbm>>
        %dma_start3A_110 = arith.constant 0 : i32
        %dma_start3A_111 = tpu.memref_slice %arg7[%add3A_103, %dma_start3A_110] : memref<400x64xf32, #tpu.memory_space<vmem>> -> memref<1x64xf32, #tpu.memory_space<vmem>>
        %dma_start3A_112 = tpu.memref_squeeze %dma_start3A_111 : memref<1x64xf32, #tpu.memory_space<vmem>> -> memref<64xf32, #tpu.memory_space<vmem>>
        %dma_start3A_113 = arith.constant 0 : i32
        %dma_start3A_114 = tpu.memref_slice %arg3[%squeeze3A_101, %dma_start3A_113] : memref<1000001x64xf32, #tpu.memory_space<hbm>> -> memref<1x64xf32, #tpu.memory_space<hbm>>
        %dma_start3A_115 = tpu.memref_squeeze %dma_start3A_114 : memref<1x64xf32, #tpu.memory_space<hbm>> -> memref<64xf32, #tpu.memory_space<hbm>>
        tpu.enqueue_dma source(%dma_start3A_115 : memref<64xf32, #tpu.memory_space<hbm>>) target(%dma_start3A_112 : memref<64xf32, #tpu.memory_space<vmem>>) target_semaphore(%arg9 : memref<!tpu.dma_semaphore, #tpu.memory_space<semaphore_mem>>)
        %slice3A_116 = vector.extract_strided_slice %get3A_52 {offsets = [4], sizes = [1], strides = [1]} : vector<16xi32> to vector<1xi32>
        %squeeze3A_117 = vector.extract %slice3A_116[0] : i32 from vector<1xi32>
        %add3A_118 = arith.constant 4 : i32
        %add3A_119 = arith.addi %mul3A_54, %add3A_118 : i32
        %dma_start3A_120 = arith.constant 0 : i32
        %dma_start3A_121 = tpu.memref_slice %arg7[%add3A_119, %dma_start3A_120] : memref<400x64xf32, #tpu.memory_space<vmem>> -> memref<1x64xf32, #tpu.memory_space<vmem>>
        %dma_start3A_122 = tpu.memref_squeeze %dma_start3A_121 : memref<1x64xf32, #tpu.memory_space<vmem>> -> memref<64xf32, #tpu.memory_space<vmem>>
        %dma_start3A_123 = arith.constant 0 : i32
        %dma_start3A_124 = tpu.memref_slice %arg3[%squeeze3A_117, %dma_start3A_123] : memref<1000001x64xf32, #tpu.memory_space<hbm>> -> memref<1x64xf32, #tpu.memory_space<hbm>>
        %dma_start3A_125 = tpu.memref_squeeze %dma_start3A_124 : memref<1x64xf32, #tpu.memory_space<hbm>> -> memref<64xf32, #tpu.memory_space<hbm>>
        %dma_start3A_126 = arith.constant 0 : i32
        %dma_start3A_127 = tpu.memref_slice %arg7[%add3A_119, %dma_start3A_126] : memref<400x64xf32, #tpu.memory_space<vmem>> -> memref<1x64xf32, #tpu.memory_space<vmem>>
        %dma_start3A_128 = tpu.memref_squeeze %dma_start3A_127 : memref<1x64xf32, #tpu.memory_space<vmem>> -> memref<64xf32, #tpu.memory_space<vmem>>
        %dma_start3A_129 = arith.constant 0 : i32
        %dma_start3A_130 = tpu.memref_slice %arg3[%squeeze3A_117, %dma_start3A_129] : memref<1000001x64xf32, #tpu.memory_space<hbm>> -> memref<1x64xf32, #tpu.memory_space<hbm>>
        %dma_start3A_131 = tpu.memref_squeeze %dma_start3A_130 : memref<1x64xf32, #tpu.memory_space<hbm>> -> memref<64xf32, #tpu.memory_space<hbm>>
        tpu.enqueue_dma source(%dma_start3A_131 : memref<64xf32, #tpu.memory_space<hbm>>) target(%dma_start3A_128 : memref<64xf32, #tpu.memory_space<vmem>>) target_semaphore(%arg9 : memref<!tpu.dma_semaphore, #tpu.memory_space<semaphore_mem>>)
        %slice3A_132 = vector.extract_strided_slice %get3A_52 {offsets = [5], sizes = [1], strides = [1]} : vector<16xi32> to vector<1xi32>
        %squeeze3A_133 = vector.extract %slice3A_132[0] : i32 from vector<1xi32>
        %add3A_134 = arith.constant 5 : i32
        %add3A_135 = arith.addi %mul3A_54, %add3A_134 : i32
        %dma_start3A_136 = arith.constant 0 : i32
        %dma_start3A_137 = tpu.memref_slice %arg7[%add3A_135, %dma_start3A_136] : memref<400x64xf32, #tpu.memory_space<vmem>> -> memref<1x64xf32, #tpu.memory_space<vmem>>
        %dma_start3A_138 = tpu.memref_squeeze %dma_start3A_137 : memref<1x64xf32, #tpu.memory_space<vmem>> -> memref<64xf32, #tpu.memory_space<vmem>>
        %dma_start3A_139 = arith.constant 0 : i32
        %dma_start3A_140 = tpu.memref_slice %arg3[%squeeze3A_133, %dma_start3A_139] : memref<1000001x64xf32, #tpu.memory_space<hbm>> -> memref<1x64xf32, #tpu.memory_space<hbm>>
        %dma_start3A_141 = tpu.memref_squeeze %dma_start3A_140 : memref<1x64xf32, #tpu.memory_space<hbm>> -> memref<64xf32, #tpu.memory_space<hbm>>
        %dma_start3A_142 = arith.constant 0 : i32
        %dma_start3A_143 = tpu.memref_slice %arg7[%add3A_135, %dma_start3A_142] : memref<400x64xf32, #tpu.memory_space<vmem>> -> memref<1x64xf32, #tpu.memory_space<vmem>>
        %dma_start3A_144 = tpu.memref_squeeze %dma_start3A_143 : memref<1x64xf32, #tpu.memory_space<vmem>> -> memref<64xf32, #tpu.memory_space<vmem>>
        %dma_start3A_145 = arith.constant 0 : i32
        %dma_start3A_146 = tpu.memref_slice %arg3[%squeeze3A_133, %dma_start3A_145] : memref<1000001x64xf32, #tpu.memory_space<hbm>> -> memref<1x64xf32, #tpu.memory_space<hbm>>
        %dma_start3A_147 = tpu.memref_squeeze %dma_start3A_146 : memref<1x64xf32, #tpu.memory_space<hbm>> -> memref<64xf32, #tpu.memory_space<hbm>>
        tpu.enqueue_dma source(%dma_start3A_147 : memref<64xf32, #tpu.memory_space<hbm>>) target(%dma_start3A_144 : memref<64xf32, #tpu.memory_space<vmem>>) target_semaphore(%arg9 : memref<!tpu.dma_semaphore, #tpu.memory_space<semaphore_mem>>)
        %slice3A_148 = vector.extract_strided_slice %get3A_52 {offsets = [6], sizes = [1], strides = [1]} : vector<16xi32> to vector<1xi32>
        %squeeze3A_149 = vector.extract %slice3A_148[0] : i32 from vector<1xi32>
        %add3A_150 = arith.constant 6 : i32
        %add3A_151 = arith.addi %mul3A_54, %add3A_150 : i32
        %dma_start3A_152 = arith.constant 0 : i32
        %dma_start3A_153 = tpu.memref_slice %arg7[%add3A_151, %dma_start3A_152] : memref<400x64xf32, #tpu.memory_space<vmem>> -> memref<1x64xf32, #tpu.memory_space<vmem>>
        %dma_start3A_154 = tpu.memref_squeeze %dma_start3A_153 : memref<1x64xf32, #tpu.memory_space<vmem>> -> memref<64xf32, #tpu.memory_space<vmem>>
        %dma_start3A_155 = arith.constant 0 : i32
        %dma_start3A_156 = tpu.memref_slice %arg3[%squeeze3A_149, %dma_start3A_155] : memref<1000001x64xf32, #tpu.memory_space<hbm>> -> memref<1x64xf32, #tpu.memory_space<hbm>>
        %dma_start3A_157 = tpu.memref_squeeze %dma_start3A_156 : memref<1x64xf32, #tpu.memory_space<hbm>> -> memref<64xf32, #tpu.memory_space<hbm>>
        %dma_start3A_158 = arith.constant 0 : i32
        %dma_start3A_159 = tpu.memref_slice %arg7[%add3A_151, %dma_start3A_158] : memref<400x64xf32, #tpu.memory_space<vmem>> -> memref<1x64xf32, #tpu.memory_space<vmem>>
        %dma_start3A_160 = tpu.memref_squeeze %dma_start3A_159 : memref<1x64xf32, #tpu.memory_space<vmem>> -> memref<64xf32, #tpu.memory_space<vmem>>
        %dma_start3A_161 = arith.constant 0 : i32
        %dma_start3A_162 = tpu.memref_slice %arg3[%squeeze3A_149, %dma_start3A_161] : memref<1000001x64xf32, #tpu.memory_space<hbm>> -> memref<1x64xf32, #tpu.memory_space<hbm>>
        %dma_start3A_163 = tpu.memref_squeeze %dma_start3A_162 : memref<1x64xf32, #tpu.memory_space<hbm>> -> memref<64xf32, #tpu.memory_space<hbm>>
        tpu.enqueue_dma source(%dma_start3A_163 : memref<64xf32, #tpu.memory_space<hbm>>) target(%dma_start3A_160 : memref<64xf32, #tpu.memory_space<vmem>>) target_semaphore(%arg9 : memref<!tpu.dma_semaphore, #tpu.memory_space<semaphore_mem>>)
        %slice3A_164 = vector.extract_strided_slice %get3A_52 {offsets = [7], sizes = [1], strides = [1]} : vector<16xi32> to vector<1xi32>
        %squeeze3A_165 = vector.extract %slice3A_164[0] : i32 from vector<1xi32>
        %add3A_166 = arith.constant 7 : i32
        %add3A_167 = arith.addi %mul3A_54, %add3A_166 : i32
        %dma_start3A_168 = arith.constant 0 : i32
        %dma_start3A_169 = tpu.memref_slice %arg7[%add3A_167, %dma_start3A_168] : memref<400x64xf32, #tpu.memory_space<vmem>> -> memref<1x64xf32, #tpu.memory_space<vmem>>
        %dma_start3A_170 = tpu.memref_squeeze %dma_start3A_169 : memref<1x64xf32, #tpu.memory_space<vmem>> -> memref<64xf32, #tpu.memory_space<vmem>>
        %dma_start3A_171 = arith.constant 0 : i32
        %dma_start3A_172 = tpu.memref_slice %arg3[%squeeze3A_165, %dma_start3A_171] : memref<1000001x64xf32, #tpu.memory_space<hbm>> -> memref<1x64xf32, #tpu.memory_space<hbm>>
        %dma_start3A_173 = tpu.memref_squeeze %dma_start3A_172 : memref<1x64xf32, #tpu.memory_space<hbm>> -> memref<64xf32, #tpu.memory_space<hbm>>
        %dma_start3A_174 = arith.constant 0 : i32
        %dma_start3A_175 = tpu.memref_slice %arg7[%add3A_167, %dma_start3A_174] : memref<400x64xf32, #tpu.memory_space<vmem>> -> memref<1x64xf32, #tpu.memory_space<vmem>>
        %dma_start3A_176 = tpu.memref_squeeze %dma_start3A_175 : memref<1x64xf32, #tpu.memory_space<vmem>> -> memref<64xf32, #tpu.memory_space<vmem>>
        %dma_start3A_177 = arith.constant 0 : i32
        %dma_start3A_178 = tpu.memref_slice %arg3[%squeeze3A_165, %dma_start3A_177] : memref<1000001x64xf32, #tpu.memory_space<hbm>> -> memref<1x64xf32, #tpu.memory_space<hbm>>
        %dma_start3A_179 = tpu.memref_squeeze %dma_start3A_178 : memref<1x64xf32, #tpu.memory_space<hbm>> -> memref<64xf32, #tpu.memory_space<hbm>>
        tpu.enqueue_dma source(%dma_start3A_179 : memref<64xf32, #tpu.memory_space<hbm>>) target(%dma_start3A_176 : memref<64xf32, #tpu.memory_space<vmem>>) target_semaphore(%arg9 : memref<!tpu.dma_semaphore, #tpu.memory_space<semaphore_mem>>)
        %slice3A_180 = vector.extract_strided_slice %get3A_52 {offsets = [8], sizes = [1], strides = [1]} : vector<16xi32> to vector<1xi32>
        %squeeze3A_181 = vector.extract %slice3A_180[0] : i32 from vector<1xi32>
        %add3A_182 = arith.constant 8 : i32
        %add3A_183 = arith.addi %mul3A_54, %add3A_182 : i32
        %dma_start3A_184 = arith.constant 0 : i32
        %dma_start3A_185 = tpu.memref_slice %arg7[%add3A_183, %dma_start3A_184] : memref<400x64xf32, #tpu.memory_space<vmem>> -> memref<1x64xf32, #tpu.memory_space<vmem>>
        %dma_start3A_186 = tpu.memref_squeeze %dma_start3A_185 : memref<1x64xf32, #tpu.memory_space<vmem>> -> memref<64xf32, #tpu.memory_space<vmem>>
        %dma_start3A_187 = arith.constant 0 : i32
        %dma_start3A_188 = tpu.memref_slice %arg3[%squeeze3A_181, %dma_start3A_187] : memref<1000001x64xf32, #tpu.memory_space<hbm>> -> memref<1x64xf32, #tpu.memory_space<hbm>>
        %dma_start3A_189 = tpu.memref_squeeze %dma_start3A_188 : memref<1x64xf32, #tpu.memory_space<hbm>> -> memref<64xf32, #tpu.memory_space<hbm>>
        %dma_start3A_190 = arith.constant 0 : i32
        %dma_start3A_191 = tpu.memref_slice %arg7[%add3A_183, %dma_start3A_190] : memref<400x64xf32, #tpu.memory_space<vmem>> -> memref<1x64xf32, #tpu.memory_space<vmem>>
        %dma_start3A_192 = tpu.memref_squeeze %dma_start3A_191 : memref<1x64xf32, #tpu.memory_space<vmem>> -> memref<64xf32, #tpu.memory_space<vmem>>
        %dma_start3A_193 = arith.constant 0 : i32
        %dma_start3A_194 = tpu.memref_slice %arg3[%squeeze3A_181, %dma_start3A_193] : memref<1000001x64xf32, #tpu.memory_space<hbm>> -> memref<1x64xf32, #tpu.memory_space<hbm>>
        %dma_start3A_195 = tpu.memref_squeeze %dma_start3A_194 : memref<1x64xf32, #tpu.memory_space<hbm>> -> memref<64xf32, #tpu.memory_space<hbm>>
        tpu.enqueue_dma source(%dma_start3A_195 : memref<64xf32, #tpu.memory_space<hbm>>) target(%dma_start3A_192 : memref<64xf32, #tpu.memory_space<vmem>>) target_semaphore(%arg9 : memref<!tpu.dma_semaphore, #tpu.memory_space<semaphore_mem>>)
        %slice3A_196 = vector.extract_strided_slice %get3A_52 {offsets = [9], sizes = [1], strides = [1]} : vector<16xi32> to vector<1xi32>
        %squeeze3A_197 = vector.extract %slice3A_196[0] : i32 from vector<1xi32>
        %add3A_198 = arith.constant 9 : i32
        %add3A_199 = arith.addi %mul3A_54, %add3A_198 : i32
        %dma_start3A_200 = arith.constant 0 : i32
        %dma_start3A_201 = tpu.memref_slice %arg7[%add3A_199, %dma_start3A_200] : memref<400x64xf32, #tpu.memory_space<vmem>> -> memref<1x64xf32, #tpu.memory_space<vmem>>
        %dma_start3A_202 = tpu.memref_squeeze %dma_start3A_201 : memref<1x64xf32, #tpu.memory_space<vmem>> -> memref<64xf32, #tpu.memory_space<vmem>>
        %dma_start3A_203 = arith.constant 0 : i32
        %dma_start3A_204 = tpu.memref_slice %arg3[%squeeze3A_197, %dma_start3A_203] : memref<1000001x64xf32, #tpu.memory_space<hbm>> -> memref<1x64xf32, #tpu.memory_space<hbm>>
        %dma_start3A_205 = tpu.memref_squeeze %dma_start3A_204 : memref<1x64xf32, #tpu.memory_space<hbm>> -> memref<64xf32, #tpu.memory_space<hbm>>
        %dma_start3A_206 = arith.constant 0 : i32
        %dma_start3A_207 = tpu.memref_slice %arg7[%add3A_199, %dma_start3A_206] : memref<400x64xf32, #tpu.memory_space<vmem>> -> memref<1x64xf32, #tpu.memory_space<vmem>>
        %dma_start3A_208 = tpu.memref_squeeze %dma_start3A_207 : memref<1x64xf32, #tpu.memory_space<vmem>> -> memref<64xf32, #tpu.memory_space<vmem>>
        %dma_start3A_209 = arith.constant 0 : i32
        %dma_start3A_210 = tpu.memref_slice %arg3[%squeeze3A_197, %dma_start3A_209] : memref<1000001x64xf32, #tpu.memory_space<hbm>> -> memref<1x64xf32, #tpu.memory_space<hbm>>
        %dma_start3A_211 = tpu.memref_squeeze %dma_start3A_210 : memref<1x64xf32, #tpu.memory_space<hbm>> -> memref<64xf32, #tpu.memory_space<hbm>>
        tpu.enqueue_dma source(%dma_start3A_211 : memref<64xf32, #tpu.memory_space<hbm>>) target(%dma_start3A_208 : memref<64xf32, #tpu.memory_space<vmem>>) target_semaphore(%arg9 : memref<!tpu.dma_semaphore, #tpu.memory_space<semaphore_mem>>)
        %slice3A_212 = vector.extract_strided_slice %get3A_52 {offsets = [10], sizes = [1], strides = [1]} : vector<16xi32> to vector<1xi32>
        %squeeze3A_213 = vector.extract %slice3A_212[0] : i32 from vector<1xi32>
        %add3A_214 = arith.constant 10 : i32
        %add3A_215 = arith.addi %mul3A_54, %add3A_214 : i32
        %dma_start3A_216 = arith.constant 0 : i32
        %dma_start3A_217 = tpu.memref_slice %arg7[%add3A_215, %dma_start3A_216] : memref<400x64xf32, #tpu.memory_space<vmem>> -> memref<1x64xf32, #tpu.memory_space<vmem>>
        %dma_start3A_218 = tpu.memref_squeeze %dma_start3A_217 : memref<1x64xf32, #tpu.memory_space<vmem>> -> memref<64xf32, #tpu.memory_space<vmem>>
        %dma_start3A_219 = arith.constant 0 : i32
        %dma_start3A_220 = tpu.memref_slice %arg3[%squeeze3A_213, %dma_start3A_219] : memref<1000001x64xf32, #tpu.memory_space<hbm>> -> memref<1x64xf32, #tpu.memory_space<hbm>>
        %dma_start3A_221 = tpu.memref_squeeze %dma_start3A_220 : memref<1x64xf32, #tpu.memory_space<hbm>> -> memref<64xf32, #tpu.memory_space<hbm>>
        %dma_start3A_222 = arith.constant 0 : i32
        %dma_start3A_223 = tpu.memref_slice %arg7[%add3A_215, %dma_start3A_222] : memref<400x64xf32, #tpu.memory_space<vmem>> -> memref<1x64xf32, #tpu.memory_space<vmem>>
        %dma_start3A_224 = tpu.memref_squeeze %dma_start3A_223 : memref<1x64xf32, #tpu.memory_space<vmem>> -> memref<64xf32, #tpu.memory_space<vmem>>
        %dma_start3A_225 = arith.constant 0 : i32
        %dma_start3A_226 = tpu.memref_slice %arg3[%squeeze3A_213, %dma_start3A_225] : memref<1000001x64xf32, #tpu.memory_space<hbm>> -> memref<1x64xf32, #tpu.memory_space<hbm>>
        %dma_start3A_227 = tpu.memref_squeeze %dma_start3A_226 : memref<1x64xf32, #tpu.memory_space<hbm>> -> memref<64xf32, #tpu.memory_space<hbm>>
        tpu.enqueue_dma source(%dma_start3A_227 : memref<64xf32, #tpu.memory_space<hbm>>) target(%dma_start3A_224 : memref<64xf32, #tpu.memory_space<vmem>>) target_semaphore(%arg9 : memref<!tpu.dma_semaphore, #tpu.memory_space<semaphore_mem>>)
        %slice3A_228 = vector.extract_strided_slice %get3A_52 {offsets = [11], sizes = [1], strides = [1]} : vector<16xi32> to vector<1xi32>
        %squeeze3A_229 = vector.extract %slice3A_228[0] : i32 from vector<1xi32>
        %add3A_230 = arith.constant 11 : i32
        %add3A_231 = arith.addi %mul3A_54, %add3A_230 : i32
        %dma_start3A_232 = arith.constant 0 : i32
        %dma_start3A_233 = tpu.memref_slice %arg7[%add3A_231, %dma_start3A_232] : memref<400x64xf32, #tpu.memory_space<vmem>> -> memref<1x64xf32, #tpu.memory_space<vmem>>
        %dma_start3A_234 = tpu.memref_squeeze %dma_start3A_233 : memref<1x64xf32, #tpu.memory_space<vmem>> -> memref<64xf32, #tpu.memory_space<vmem>>
        %dma_start3A_235 = arith.constant 0 : i32
        %dma_start3A_236 = tpu.memref_slice %arg3[%squeeze3A_229, %dma_start3A_235] : memref<1000001x64xf32, #tpu.memory_space<hbm>> -> memref<1x64xf32, #tpu.memory_space<hbm>>
        %dma_start3A_237 = tpu.memref_squeeze %dma_start3A_236 : memref<1x64xf32, #tpu.memory_space<hbm>> -> memref<64xf32, #tpu.memory_space<hbm>>
        %dma_start3A_238 = arith.constant 0 : i32
        %dma_start3A_239 = tpu.memref_slice %arg7[%add3A_231, %dma_start3A_238] : memref<400x64xf32, #tpu.memory_space<vmem>> -> memref<1x64xf32, #tpu.memory_space<vmem>>
        %dma_start3A_240 = tpu.memref_squeeze %dma_start3A_239 : memref<1x64xf32, #tpu.memory_space<vmem>> -> memref<64xf32, #tpu.memory_space<vmem>>
        %dma_start3A_241 = arith.constant 0 : i32
        %dma_start3A_242 = tpu.memref_slice %arg3[%squeeze3A_229, %dma_start3A_241] : memref<1000001x64xf32, #tpu.memory_space<hbm>> -> memref<1x64xf32, #tpu.memory_space<hbm>>
        %dma_start3A_243 = tpu.memref_squeeze %dma_start3A_242 : memref<1x64xf32, #tpu.memory_space<hbm>> -> memref<64xf32, #tpu.memory_space<hbm>>
        tpu.enqueue_dma source(%dma_start3A_243 : memref<64xf32, #tpu.memory_space<hbm>>) target(%dma_start3A_240 : memref<64xf32, #tpu.memory_space<vmem>>) target_semaphore(%arg9 : memref<!tpu.dma_semaphore, #tpu.memory_space<semaphore_mem>>)
        %slice3A_244 = vector.extract_strided_slice %get3A_52 {offsets = [12], sizes = [1], strides = [1]} : vector<16xi32> to vector<1xi32>
        %squeeze3A_245 = vector.extract %slice3A_244[0] : i32 from vector<1xi32>
        %add3A_246 = arith.constant 12 : i32
        %add3A_247 = arith.addi %mul3A_54, %add3A_246 : i32
        %dma_start3A_248 = arith.constant 0 : i32
        %dma_start3A_249 = tpu.memref_slice %arg7[%add3A_247, %dma_start3A_248] : memref<400x64xf32, #tpu.memory_space<vmem>> -> memref<1x64xf32, #tpu.memory_space<vmem>>
        %dma_start3A_250 = tpu.memref_squeeze %dma_start3A_249 : memref<1x64xf32, #tpu.memory_space<vmem>> -> memref<64xf32, #tpu.memory_space<vmem>>
        %dma_start3A_251 = arith.constant 0 : i32
        %dma_start3A_252 = tpu.memref_slice %arg3[%squeeze3A_245, %dma_start3A_251] : memref<1000001x64xf32, #tpu.memory_space<hbm>> -> memref<1x64xf32, #tpu.memory_space<hbm>>
        %dma_start3A_253 = tpu.memref_squeeze %dma_start3A_252 : memref<1x64xf32, #tpu.memory_space<hbm>> -> memref<64xf32, #tpu.memory_space<hbm>>
        %dma_start3A_254 = arith.constant 0 : i32
        %dma_start3A_255 = tpu.memref_slice %arg7[%add3A_247, %dma_start3A_254] : memref<400x64xf32, #tpu.memory_space<vmem>> -> memref<1x64xf32, #tpu.memory_space<vmem>>
        %dma_start3A_256 = tpu.memref_squeeze %dma_start3A_255 : memref<1x64xf32, #tpu.memory_space<vmem>> -> memref<64xf32, #tpu.memory_space<vmem>>
        %dma_start3A_257 = arith.constant 0 : i32
        %dma_start3A_258 = tpu.memref_slice %arg3[%squeeze3A_245, %dma_start3A_257] : memref<1000001x64xf32, #tpu.memory_space<hbm>> -> memref<1x64xf32, #tpu.memory_space<hbm>>
        %dma_start3A_259 = tpu.memref_squeeze %dma_start3A_258 : memref<1x64xf32, #tpu.memory_space<hbm>> -> memref<64xf32, #tpu.memory_space<hbm>>
        tpu.enqueue_dma source(%dma_start3A_259 : memref<64xf32, #tpu.memory_space<hbm>>) target(%dma_start3A_256 : memref<64xf32, #tpu.memory_space<vmem>>) target_semaphore(%arg9 : memref<!tpu.dma_semaphore, #tpu.memory_space<semaphore_mem>>)
        %slice3A_260 = vector.extract_strided_slice %get3A_52 {offsets = [13], sizes = [1], strides = [1]} : vector<16xi32> to vector<1xi32>
        %squeeze3A_261 = vector.extract %slice3A_260[0] : i32 from vector<1xi32>
        %add3A_262 = arith.constant 13 : i32
        %add3A_263 = arith.addi %mul3A_54, %add3A_262 : i32
        %dma_start3A_264 = arith.constant 0 : i32
        %dma_start3A_265 = tpu.memref_slice %arg7[%add3A_263, %dma_start3A_264] : memref<400x64xf32, #tpu.memory_space<vmem>> -> memref<1x64xf32, #tpu.memory_space<vmem>>
        %dma_start3A_266 = tpu.memref_squeeze %dma_start3A_265 : memref<1x64xf32, #tpu.memory_space<vmem>> -> memref<64xf32, #tpu.memory_space<vmem>>
        %dma_start3A_267 = arith.constant 0 : i32
        %dma_start3A_268 = tpu.memref_slice %arg3[%squeeze3A_261, %dma_start3A_267] : memref<1000001x64xf32, #tpu.memory_space<hbm>> -> memref<1x64xf32, #tpu.memory_space<hbm>>
        %dma_start3A_269 = tpu.memref_squeeze %dma_start3A_268 : memref<1x64xf32, #tpu.memory_space<hbm>> -> memref<64xf32, #tpu.memory_space<hbm>>
        %dma_start3A_270 = arith.constant 0 : i32
        %dma_start3A_271 = tpu.memref_slice %arg7[%add3A_263, %dma_start3A_270] : memref<400x64xf32, #tpu.memory_space<vmem>> -> memref<1x64xf32, #tpu.memory_space<vmem>>
        %dma_start3A_272 = tpu.memref_squeeze %dma_start3A_271 : memref<1x64xf32, #tpu.memory_space<vmem>> -> memref<64xf32, #tpu.memory_space<vmem>>
        %dma_start3A_273 = arith.constant 0 : i32
        %dma_start3A_274 = tpu.memref_slice %arg3[%squeeze3A_261, %dma_start3A_273] : memref<1000001x64xf32, #tpu.memory_space<hbm>> -> memref<1x64xf32, #tpu.memory_space<hbm>>
        %dma_start3A_275 = tpu.memref_squeeze %dma_start3A_274 : memref<1x64xf32, #tpu.memory_space<hbm>> -> memref<64xf32, #tpu.memory_space<hbm>>
        tpu.enqueue_dma source(%dma_start3A_275 : memref<64xf32, #tpu.memory_space<hbm>>) target(%dma_start3A_272 : memref<64xf32, #tpu.memory_space<vmem>>) target_semaphore(%arg9 : memref<!tpu.dma_semaphore, #tpu.memory_space<semaphore_mem>>)
        %slice3A_276 = vector.extract_strided_slice %get3A_52 {offsets = [14], sizes = [1], strides = [1]} : vector<16xi32> to vector<1xi32>
        %squeeze3A_277 = vector.extract %slice3A_276[0] : i32 from vector<1xi32>
        %add3A_278 = arith.constant 14 : i32
        %add3A_279 = arith.addi %mul3A_54, %add3A_278 : i32
        %dma_start3A_280 = arith.constant 0 : i32
        %dma_start3A_281 = tpu.memref_slice %arg7[%add3A_279, %dma_start3A_280] : memref<400x64xf32, #tpu.memory_space<vmem>> -> memref<1x64xf32, #tpu.memory_space<vmem>>
        %dma_start3A_282 = tpu.memref_squeeze %dma_start3A_281 : memref<1x64xf32, #tpu.memory_space<vmem>> -> memref<64xf32, #tpu.memory_space<vmem>>
        %dma_start3A_283 = arith.constant 0 : i32
        %dma_start3A_284 = tpu.memref_slice %arg3[%squeeze3A_277, %dma_start3A_283] : memref<1000001x64xf32, #tpu.memory_space<hbm>> -> memref<1x64xf32, #tpu.memory_space<hbm>>
        %dma_start3A_285 = tpu.memref_squeeze %dma_start3A_284 : memref<1x64xf32, #tpu.memory_space<hbm>> -> memref<64xf32, #tpu.memory_space<hbm>>
        %dma_start3A_286 = arith.constant 0 : i32
        %dma_start3A_287 = tpu.memref_slice %arg7[%add3A_279, %dma_start3A_286] : memref<400x64xf32, #tpu.memory_space<vmem>> -> memref<1x64xf32, #tpu.memory_space<vmem>>
        %dma_start3A_288 = tpu.memref_squeeze %dma_start3A_287 : memref<1x64xf32, #tpu.memory_space<vmem>> -> memref<64xf32, #tpu.memory_space<vmem>>
        %dma_start3A_289 = arith.constant 0 : i32
        %dma_start3A_290 = tpu.memref_slice %arg3[%squeeze3A_277, %dma_start3A_289] : memref<1000001x64xf32, #tpu.memory_space<hbm>> -> memref<1x64xf32, #tpu.memory_space<hbm>>
        %dma_start3A_291 = tpu.memref_squeeze %dma_start3A_290 : memref<1x64xf32, #tpu.memory_space<hbm>> -> memref<64xf32, #tpu.memory_space<hbm>>
        tpu.enqueue_dma source(%dma_start3A_291 : memref<64xf32, #tpu.memory_space<hbm>>) target(%dma_start3A_288 : memref<64xf32, #tpu.memory_space<vmem>>) target_semaphore(%arg9 : memref<!tpu.dma_semaphore, #tpu.memory_space<semaphore_mem>>)
        %slice3A_292 = vector.extract_strided_slice %get3A_52 {offsets = [15], sizes = [1], strides = [1]} : vector<16xi32> to vector<1xi32>
        %squeeze3A_293 = vector.extract %slice3A_292[0] : i32 from vector<1xi32>
        %add3A_294 = arith.constant 15 : i32
        %add3A_295 = arith.addi %mul3A_54, %add3A_294 : i32
        %dma_start3A_296 = arith.constant 0 : i32
        %dma_start3A_297 = tpu.memref_slice %arg7[%add3A_295, %dma_start3A_296] : memref<400x64xf32, #tpu.memory_space<vmem>> -> memref<1x64xf32, #tpu.memory_space<vmem>>
        %dma_start3A_298 = tpu.memref_squeeze %dma_start3A_297 : memref<1x64xf32, #tpu.memory_space<vmem>> -> memref<64xf32, #tpu.memory_space<vmem>>
        %dma_start3A_299 = arith.constant 0 : i32
        %dma_start3A_300 = tpu.memref_slice %arg3[%squeeze3A_293, %dma_start3A_299] : memref<1000001x64xf32, #tpu.memory_space<hbm>> -> memref<1x64xf32, #tpu.memory_space<hbm>>
        %dma_start3A_301 = tpu.memref_squeeze %dma_start3A_300 : memref<1x64xf32, #tpu.memory_space<hbm>> -> memref<64xf32, #tpu.memory_space<hbm>>
        %dma_start3A_302 = arith.constant 0 : i32
        %dma_start3A_303 = tpu.memref_slice %arg7[%add3A_295, %dma_start3A_302] : memref<400x64xf32, #tpu.memory_space<vmem>> -> memref<1x64xf32, #tpu.memory_space<vmem>>
        %dma_start3A_304 = tpu.memref_squeeze %dma_start3A_303 : memref<1x64xf32, #tpu.memory_space<vmem>> -> memref<64xf32, #tpu.memory_space<vmem>>
        %dma_start3A_305 = arith.constant 0 : i32
        %dma_start3A_306 = tpu.memref_slice %arg3[%squeeze3A_293, %dma_start3A_305] : memref<1000001x64xf32, #tpu.memory_space<hbm>> -> memref<1x64xf32, #tpu.memory_space<hbm>>
        %dma_start3A_307 = tpu.memref_squeeze %dma_start3A_306 : memref<1x64xf32, #tpu.memory_space<hbm>> -> memref<64xf32, #tpu.memory_space<hbm>>
        tpu.enqueue_dma source(%dma_start3A_307 : memref<64xf32, #tpu.memory_space<hbm>>) target(%dma_start3A_304 : memref<64xf32, #tpu.memory_space<vmem>>) target_semaphore(%arg9 : memref<!tpu.dma_semaphore, #tpu.memory_space<semaphore_mem>>)
      }
      %scan3A_19 = arith.constant 25 : i32
      %scan3A_20 = arith.constant 0 : i32
      %scan3A_21 = arith.constant 0 : i32
      %scan3A_22 = arith.constant 400 : i32
      %scan3A_23 = arith.addi %scan3A_21, %scan3A_22 : i32
      %scan3A_24 = arith.constant 1 : i32
      scf.for %scan3A_48 = %scan3A_21 to %scan3A_23 step %scan3A_24  : i32 {
        %dma_wait3A = arith.constant 0 : i32
        %dma_wait3A_49 = arith.constant 0 : i32
        %dma_wait3A_50 = arith.constant 0 : i32
        %dma_wait3A_51 = tpu.memref_slice %arg7[%dma_wait3A_49, %dma_wait3A_50] : memref<400x64xf32, #tpu.memory_space<vmem>> -> memref<1x64xf32, #tpu.memory_space<vmem>>
        %dma_wait3A_52 = tpu.memref_squeeze %dma_wait3A_51 : memref<1x64xf32, #tpu.memory_space<vmem>> -> memref<64xf32, #tpu.memory_space<vmem>>
        %dma_wait3A_53 = arith.constant 0 : i32
        %dma_wait3A_54 = tpu.memref_slice %arg3[%dma_wait3A, %dma_wait3A_53] : memref<1000001x64xf32, #tpu.memory_space<hbm>> -> memref<1x64xf32, #tpu.memory_space<hbm>>
        %dma_wait3A_55 = tpu.memref_squeeze %dma_wait3A_54 : memref<1x64xf32, #tpu.memory_space<hbm>> -> memref<64xf32, #tpu.memory_space<hbm>>
        %dma_wait3A_56 = arith.constant 0 : i32
        %dma_wait3A_57 = tpu.memref_slice %arg7[%dma_wait3A_49, %dma_wait3A_56] : memref<400x64xf32, #tpu.memory_space<vmem>> -> memref<1x64xf32, #tpu.memory_space<vmem>>
        %dma_wait3A_58 = tpu.memref_squeeze %dma_wait3A_57 : memref<1x64xf32, #tpu.memory_space<vmem>> -> memref<64xf32, #tpu.memory_space<vmem>>
        %dma_wait3A_59 = arith.constant 0 : i32
        %dma_wait3A_60 = tpu.memref_slice %arg3[%dma_wait3A, %dma_wait3A_59] : memref<1000001x64xf32, #tpu.memory_space<hbm>> -> memref<1x64xf32, #tpu.memory_space<hbm>>
        %dma_wait3A_61 = tpu.memref_squeeze %dma_wait3A_60 : memref<1x64xf32, #tpu.memory_space<hbm>> -> memref<64xf32, #tpu.memory_space<hbm>>
        tpu.wait_dma2 semaphore(%arg9 : memref<!tpu.dma_semaphore, #tpu.memory_space<semaphore_mem>>) src(%dma_wait3A_61 : memref<64xf32, #tpu.memory_space<hbm>>) dst(%dma_wait3A_58 : memref<64xf32, #tpu.memory_space<vmem>>)
      }
      %scan3A_25 = arith.constant 400 : i32
      %scan3A_26 = arith.constant 0 : i32
      %scan3A_27 = arith.constant 0 : i32
      %scan3A_28 = arith.constant 50 : i32
      %scan3A_29 = arith.addi %scan3A_27, %scan3A_28 : i32
      %scan3A_30 = arith.constant 1 : i32
      scf.for %scan3A_48 = %scan3A_27 to %scan3A_29 step %scan3A_30  : i32 {
        %mul3A_49 = arith.constant 64 : i32
        %mul3A_50 = arith.muli %scan3A_48, %mul3A_49 : i32
        %add3A_51 = arith.constant 0 : i32
        %add3A_52 = arith.addi %mul3A_50, %add3A_51 : i32
        %get3A = arith.index_cast %add3A_52 : i32 to index
        %get3A_53 = tpu.vector_load %arg8[%get3A] {strides = array<i32>} : memref<3200xf32, #tpu.memory_space<vmem>>, vector<16xf32>,
        %get3A_54 = vector.shape_cast %get3A_53 : vector<16xf32> to vector<16xf32>
        %add3A_55 = arith.constant 0 : i32
        %add3A_56 = arith.addi %add3A_55, %scan3A_48 : i32
        %swap3A = arith.index_cast %add3A_56 : i32 to index
        %swap3A_57 = arith.constant 0 : index
        %swap3A_58 = tpu.vector_load %arg7[%swap3A, %swap3A_57] {strides = array<i32>} : memref<400x64xf32, #tpu.memory_space<vmem>>, vector<1x16xf32>,
        %swap3A_59 = vector.shape_cast %swap3A_58 : vector<1x16xf32> to vector<16xf32>
        %swap3A_60 = vector.shape_cast %get3A_54 : vector<16xf32> to vector<1x16xf32>
        tpu.vector_store %arg7[%swap3A, %swap3A_57], %swap3A_60 {add = true, strides = array<i32>} : memref<400x64xf32, #tpu.memory_space<vmem>>, vector<1x16xf32>,
        %add3A_61 = arith.constant 50 : i32
        %add3A_62 = arith.addi %add3A_61, %scan3A_48 : i32
        %swap3A_63 = arith.index_cast %add3A_62 : i32 to index
        %swap3A_64 = arith.constant 0 : index
        %swap3A_65 = tpu.vector_load %arg7[%swap3A_63, %swap3A_64] {strides = array<i32>} : memref<400x64xf32, #tpu.memory_space<vmem>>, vector<1x16xf32>,
        %swap3A_66 = vector.shape_cast %swap3A_65 : vector<1x16xf32> to vector<16xf32>
        %swap3A_67 = vector.shape_cast %get3A_54 : vector<16xf32> to vector<1x16xf32>
        tpu.vector_store %arg7[%swap3A_63, %swap3A_64], %swap3A_67 {add = true, strides = array<i32>} : memref<400x64xf32, #tpu.memory_space<vmem>>, vector<1x16xf32>,
        %add3A_68 = arith.constant 100 : i32
        %add3A_69 = arith.addi %add3A_68, %scan3A_48 : i32
        %swap3A_70 = arith.index_cast %add3A_69 : i32 to index
        %swap3A_71 = arith.constant 0 : index
        %swap3A_72 = tpu.vector_load %arg7[%swap3A_70, %swap3A_71] {strides = array<i32>} : memref<400x64xf32, #tpu.memory_space<vmem>>, vector<1x16xf32>,
        %swap3A_73 = vector.shape_cast %swap3A_72 : vector<1x16xf32> to vector<16xf32>
        %swap3A_74 = vector.shape_cast %get3A_54 : vector<16xf32> to vector<1x16xf32>
        tpu.vector_store %arg7[%swap3A_70, %swap3A_71], %swap3A_74 {add = true, strides = array<i32>} : memref<400x64xf32, #tpu.memory_space<vmem>>, vector<1x16xf32>,
        %add3A_75 = arith.constant 150 : i32
        %add3A_76 = arith.addi %add3A_75, %scan3A_48 : i32
        %swap3A_77 = arith.index_cast %add3A_76 : i32 to index
        %swap3A_78 = arith.constant 0 : index
        %swap3A_79 = tpu.vector_load %arg7[%swap3A_77, %swap3A_78] {strides = array<i32>} : memref<400x64xf32, #tpu.memory_space<vmem>>, vector<1x16xf32>,
        %swap3A_80 = vector.shape_cast %swap3A_79 : vector<1x16xf32> to vector<16xf32>
        %swap3A_81 = vector.shape_cast %get3A_54 : vector<16xf32> to vector<1x16xf32>
        tpu.vector_store %arg7[%swap3A_77, %swap3A_78], %swap3A_81 {add = true, strides = array<i32>} : memref<400x64xf32, #tpu.memory_space<vmem>>, vector<1x16xf32>,
        %add3A_82 = arith.constant 200 : i32
        %add3A_83 = arith.addi %add3A_82, %scan3A_48 : i32
        %swap3A_84 = arith.index_cast %add3A_83 : i32 to index
        %swap3A_85 = arith.constant 0 : index
        %swap3A_86 = tpu.vector_load %arg7[%swap3A_84, %swap3A_85] {strides = array<i32>} : memref<400x64xf32, #tpu.memory_space<vmem>>, vector<1x16xf32>,
        %swap3A_87 = vector.shape_cast %swap3A_86 : vector<1x16xf32> to vector<16xf32>
        %swap3A_88 = vector.shape_cast %get3A_54 : vector<16xf32> to vector<1x16xf32>
        tpu.vector_store %arg7[%swap3A_84, %swap3A_85], %swap3A_88 {add = true, strides = array<i32>} : memref<400x64xf32, #tpu.memory_space<vmem>>, vector<1x16xf32>,
        %add3A_89 = arith.constant 250 : i32
        %add3A_90 = arith.addi %add3A_89, %scan3A_48 : i32
        %swap3A_91 = arith.index_cast %add3A_90 : i32 to index
        %swap3A_92 = arith.constant 0 : index
        %swap3A_93 = tpu.vector_load %arg7[%swap3A_91, %swap3A_92] {strides = array<i32>} : memref<400x64xf32, #tpu.memory_space<vmem>>, vector<1x16xf32>,
        %swap3A_94 = vector.shape_cast %swap3A_93 : vector<1x16xf32> to vector<16xf32>
        %swap3A_95 = vector.shape_cast %get3A_54 : vector<16xf32> to vector<1x16xf32>
        tpu.vector_store %arg7[%swap3A_91, %swap3A_92], %swap3A_95 {add = true, strides = array<i32>} : memref<400x64xf32, #tpu.memory_space<vmem>>, vector<1x16xf32>,
        %add3A_96 = arith.constant 300 : i32
        %add3A_97 = arith.addi %add3A_96, %scan3A_48 : i32
        %swap3A_98 = arith.index_cast %add3A_97 : i32 to index
        %swap3A_99 = arith.constant 0 : index
        %swap3A_100 = tpu.vector_load %arg7[%swap3A_98, %swap3A_99] {strides = array<i32>} : memref<400x64xf32, #tpu.memory_space<vmem>>, vector<1x16xf32>,
        %swap3A_101 = vector.shape_cast %swap3A_100 : vector<1x16xf32> to vector<16xf32>
        %swap3A_102 = vector.shape_cast %get3A_54 : vector<16xf32> to vector<1x16xf32>
        tpu.vector_store %arg7[%swap3A_98, %swap3A_99], %swap3A_102 {add = true, strides = array<i32>} : memref<400x64xf32, #tpu.memory_space<vmem>>, vector<1x16xf32>,
        %add3A_103 = arith.constant 350 : i32
        %add3A_104 = arith.addi %add3A_103, %scan3A_48 : i32
        %swap3A_105 = arith.index_cast %add3A_104 : i32 to index
        %swap3A_106 = arith.constant 0 : index
        %swap3A_107 = tpu.vector_load %arg7[%swap3A_105, %swap3A_106] {strides = array<i32>} : memref<400x64xf32, #tpu.memory_space<vmem>>, vector<1x16xf32>,
        %swap3A_108 = vector.shape_cast %swap3A_107 : vector<1x16xf32> to vector<16xf32>
        %swap3A_109 = vector.shape_cast %get3A_54 : vector<16xf32> to vector<1x16xf32>
        tpu.vector_store %arg7[%swap3A_105, %swap3A_106], %swap3A_109 {add = true, strides = array<i32>} : memref<400x64xf32, #tpu.memory_space<vmem>>, vector<1x16xf32>,
        %mul3A_110 = arith.constant 64 : i32
        %mul3A_111 = arith.muli %scan3A_48, %mul3A_110 : i32
        %add3A_112 = arith.constant 16 : i32
        %add3A_113 = arith.addi %mul3A_111, %add3A_112 : i32
        %get3A_114 = arith.index_cast %add3A_113 : i32 to index
        %get3A_115 = tpu.vector_load %arg8[%get3A_114] {strides = array<i32>} : memref<3200xf32, #tpu.memory_space<vmem>>, vector<16xf32>,
        %get3A_116 = vector.shape_cast %get3A_115 : vector<16xf32> to vector<16xf32>
        %add3A_117 = arith.constant 0 : i32
        %add3A_118 = arith.addi %add3A_117, %scan3A_48 : i32
        %swap3A_119 = arith.index_cast %add3A_118 : i32 to index
        %swap3A_120 = arith.constant 16 : index
        %swap3A_121 = tpu.vector_load %arg7[%swap3A_119, %swap3A_120] {strides = array<i32>} : memref<400x64xf32, #tpu.memory_space<vmem>>, vector<1x16xf32>,
        %swap3A_122 = vector.shape_cast %swap3A_121 : vector<1x16xf32> to vector<16xf32>
        %swap3A_123 = vector.shape_cast %get3A_116 : vector<16xf32> to vector<1x16xf32>
        tpu.vector_store %arg7[%swap3A_119, %swap3A_120], %swap3A_123 {add = true, strides = array<i32>} : memref<400x64xf32, #tpu.memory_space<vmem>>, vector<1x16xf32>,
        %add3A_124 = arith.constant 50 : i32
        %add3A_125 = arith.addi %add3A_124, %scan3A_48 : i32
        %swap3A_126 = arith.index_cast %add3A_125 : i32 to index
        %swap3A_127 = arith.constant 16 : index
        %swap3A_128 = tpu.vector_load %arg7[%swap3A_126, %swap3A_127] {strides = array<i32>} : memref<400x64xf32, #tpu.memory_space<vmem>>, vector<1x16xf32>,
        %swap3A_129 = vector.shape_cast %swap3A_128 : vector<1x16xf32> to vector<16xf32>
        %swap3A_130 = vector.shape_cast %get3A_116 : vector<16xf32> to vector<1x16xf32>
        tpu.vector_store %arg7[%swap3A_126, %swap3A_127], %swap3A_130 {add = true, strides = array<i32>} : memref<400x64xf32, #tpu.memory_space<vmem>>, vector<1x16xf32>,
        %add3A_131 = arith.constant 100 : i32
        %add3A_132 = arith.addi %add3A_131, %scan3A_48 : i32
        %swap3A_133 = arith.index_cast %add3A_132 : i32 to index
        %swap3A_134 = arith.constant 16 : index
        %swap3A_135 = tpu.vector_load %arg7[%swap3A_133, %swap3A_134] {strides = array<i32>} : memref<400x64xf32, #tpu.memory_space<vmem>>, vector<1x16xf32>,
        %swap3A_136 = vector.shape_cast %swap3A_135 : vector<1x16xf32> to vector<16xf32>
        %swap3A_137 = vector.shape_cast %get3A_116 : vector<16xf32> to vector<1x16xf32>
        tpu.vector_store %arg7[%swap3A_133, %swap3A_134], %swap3A_137 {add = true, strides = array<i32>} : memref<400x64xf32, #tpu.memory_space<vmem>>, vector<1x16xf32>,
        %add3A_138 = arith.constant 150 : i32
        %add3A_139 = arith.addi %add3A_138, %scan3A_48 : i32
        %swap3A_140 = arith.index_cast %add3A_139 : i32 to index
        %swap3A_141 = arith.constant 16 : index
        %swap3A_142 = tpu.vector_load %arg7[%swap3A_140, %swap3A_141] {strides = array<i32>} : memref<400x64xf32, #tpu.memory_space<vmem>>, vector<1x16xf32>,
        %swap3A_143 = vector.shape_cast %swap3A_142 : vector<1x16xf32> to vector<16xf32>
        %swap3A_144 = vector.shape_cast %get3A_116 : vector<16xf32> to vector<1x16xf32>
        tpu.vector_store %arg7[%swap3A_140, %swap3A_141], %swap3A_144 {add = true, strides = array<i32>} : memref<400x64xf32, #tpu.memory_space<vmem>>, vector<1x16xf32>,
        %add3A_145 = arith.constant 200 : i32
        %add3A_146 = arith.addi %add3A_145, %scan3A_48 : i32
        %swap3A_147 = arith.index_cast %add3A_146 : i32 to index
        %swap3A_148 = arith.constant 16 : index
        %swap3A_149 = tpu.vector_load %arg7[%swap3A_147, %swap3A_148] {strides = array<i32>} : memref<400x64xf32, #tpu.memory_space<vmem>>, vector<1x16xf32>,
        %swap3A_150 = vector.shape_cast %swap3A_149 : vector<1x16xf32> to vector<16xf32>
        %swap3A_151 = vector.shape_cast %get3A_116 : vector<16xf32> to vector<1x16xf32>
        tpu.vector_store %arg7[%swap3A_147, %swap3A_148], %swap3A_151 {add = true, strides = array<i32>} : memref<400x64xf32, #tpu.memory_space<vmem>>, vector<1x16xf32>,
        %add3A_152 = arith.constant 250 : i32
        %add3A_153 = arith.addi %add3A_152, %scan3A_48 : i32
        %swap3A_154 = arith.index_cast %add3A_153 : i32 to index
        %swap3A_155 = arith.constant 16 : index
        %swap3A_156 = tpu.vector_load %arg7[%swap3A_154, %swap3A_155] {strides = array<i32>} : memref<400x64xf32, #tpu.memory_space<vmem>>, vector<1x16xf32>,
        %swap3A_157 = vector.shape_cast %swap3A_156 : vector<1x16xf32> to vector<16xf32>
        %swap3A_158 = vector.shape_cast %get3A_116 : vector<16xf32> to vector<1x16xf32>
        tpu.vector_store %arg7[%swap3A_154, %swap3A_155], %swap3A_158 {add = true, strides = array<i32>} : memref<400x64xf32, #tpu.memory_space<vmem>>, vector<1x16xf32>,
        %add3A_159 = arith.constant 300 : i32
        %add3A_160 = arith.addi %add3A_159, %scan3A_48 : i32
        %swap3A_161 = arith.index_cast %add3A_160 : i32 to index
        %swap3A_162 = arith.constant 16 : index
        %swap3A_163 = tpu.vector_load %arg7[%swap3A_161, %swap3A_162] {strides = array<i32>} : memref<400x64xf32, #tpu.memory_space<vmem>>, vector<1x16xf32>,
        %swap3A_164 = vector.shape_cast %swap3A_163 : vector<1x16xf32> to vector<16xf32>
        %swap3A_165 = vector.shape_cast %get3A_116 : vector<16xf32> to vector<1x16xf32>
        tpu.vector_store %arg7[%swap3A_161, %swap3A_162], %swap3A_165 {add = true, strides = array<i32>} : memref<400x64xf32, #tpu.memory_space<vmem>>, vector<1x16xf32>,
        %add3A_166 = arith.constant 350 : i32
        %add3A_167 = arith.addi %add3A_166, %scan3A_48 : i32
        %swap3A_168 = arith.index_cast %add3A_167 : i32 to index
        %swap3A_169 = arith.constant 16 : index
        %swap3A_170 = tpu.vector_load %arg7[%swap3A_168, %swap3A_169] {strides = array<i32>} : memref<400x64xf32, #tpu.memory_space<vmem>>, vector<1x16xf32>,
        %swap3A_171 = vector.shape_cast %swap3A_170 : vector<1x16xf32> to vector<16xf32>
        %swap3A_172 = vector.shape_cast %get3A_116 : vector<16xf32> to vector<1x16xf32>
        tpu.vector_store %arg7[%swap3A_168, %swap3A_169], %swap3A_172 {add = true, strides = array<i32>} : memref<400x64xf32, #tpu.memory_space<vmem>>, vector<1x16xf32>,
        %mul3A_173 = arith.constant 64 : i32
        %mul3A_174 = arith.muli %scan3A_48, %mul3A_173 : i32
        %add3A_175 = arith.constant 32 : i32
        %add3A_176 = arith.addi %mul3A_174, %add3A_175 : i32
        %get3A_177 = arith.index_cast %add3A_176 : i32 to index
        %get3A_178 = tpu.vector_load %arg8[%get3A_177] {strides = array<i32>} : memref<3200xf32, #tpu.memory_space<vmem>>, vector<16xf32>,
        %get3A_179 = vector.shape_cast %get3A_178 : vector<16xf32> to vector<16xf32>
        %add3A_180 = arith.constant 0 : i32
        %add3A_181 = arith.addi %add3A_180, %scan3A_48 : i32
        %swap3A_182 = arith.index_cast %add3A_181 : i32 to index
        %swap3A_183 = arith.constant 32 : index
        %swap3A_184 = tpu.vector_load %arg7[%swap3A_182, %swap3A_183] {strides = array<i32>} : memref<400x64xf32, #tpu.memory_space<vmem>>, vector<1x16xf32>,
        %swap3A_185 = vector.shape_cast %swap3A_184 : vector<1x16xf32> to vector<16xf32>
        %swap3A_186 = vector.shape_cast %get3A_179 : vector<16xf32> to vector<1x16xf32>
        tpu.vector_store %arg7[%swap3A_182, %swap3A_183], %swap3A_186 {add = true, strides = array<i32>} : memref<400x64xf32, #tpu.memory_space<vmem>>, vector<1x16xf32>,
        %add3A_187 = arith.constant 50 : i32
        %add3A_188 = arith.addi %add3A_187, %scan3A_48 : i32
        %swap3A_189 = arith.index_cast %add3A_188 : i32 to index
        %swap3A_190 = arith.constant 32 : index
        %swap3A_191 = tpu.vector_load %arg7[%swap3A_189, %swap3A_190] {strides = array<i32>} : memref<400x64xf32, #tpu.memory_space<vmem>>, vector<1x16xf32>,
        %swap3A_192 = vector.shape_cast %swap3A_191 : vector<1x16xf32> to vector<16xf32>
        %swap3A_193 = vector.shape_cast %get3A_179 : vector<16xf32> to vector<1x16xf32>
        tpu.vector_store %arg7[%swap3A_189, %swap3A_190], %swap3A_193 {add = true, strides = array<i32>} : memref<400x64xf32, #tpu.memory_space<vmem>>, vector<1x16xf32>,
        %add3A_194 = arith.constant 100 : i32
        %add3A_195 = arith.addi %add3A_194, %scan3A_48 : i32
        %swap3A_196 = arith.index_cast %add3A_195 : i32 to index
        %swap3A_197 = arith.constant 32 : index
        %swap3A_198 = tpu.vector_load %arg7[%swap3A_196, %swap3A_197] {strides = array<i32>} : memref<400x64xf32, #tpu.memory_space<vmem>>, vector<1x16xf32>,
        %swap3A_199 = vector.shape_cast %swap3A_198 : vector<1x16xf32> to vector<16xf32>
        %swap3A_200 = vector.shape_cast %get3A_179 : vector<16xf32> to vector<1x16xf32>
        tpu.vector_store %arg7[%swap3A_196, %swap3A_197], %swap3A_200 {add = true, strides = array<i32>} : memref<400x64xf32, #tpu.memory_space<vmem>>, vector<1x16xf32>,
        %add3A_201 = arith.constant 150 : i32
        %add3A_202 = arith.addi %add3A_201, %scan3A_48 : i32
        %swap3A_203 = arith.index_cast %add3A_202 : i32 to index
        %swap3A_204 = arith.constant 32 : index
        %swap3A_205 = tpu.vector_load %arg7[%swap3A_203, %swap3A_204] {strides = array<i32>} : memref<400x64xf32, #tpu.memory_space<vmem>>, vector<1x16xf32>,
        %swap3A_206 = vector.shape_cast %swap3A_205 : vector<1x16xf32> to vector<16xf32>
        %swap3A_207 = vector.shape_cast %get3A_179 : vector<16xf32> to vector<1x16xf32>
        tpu.vector_store %arg7[%swap3A_203, %swap3A_204], %swap3A_207 {add = true, strides = array<i32>} : memref<400x64xf32, #tpu.memory_space<vmem>>, vector<1x16xf32>,
        %add3A_208 = arith.constant 200 : i32
        %add3A_209 = arith.addi %add3A_208, %scan3A_48 : i32
        %swap3A_210 = arith.index_cast %add3A_209 : i32 to index
        %swap3A_211 = arith.constant 32 : index
        %swap3A_212 = tpu.vector_load %arg7[%swap3A_210, %swap3A_211] {strides = array<i32>} : memref<400x64xf32, #tpu.memory_space<vmem>>, vector<1x16xf32>,
        %swap3A_213 = vector.shape_cast %swap3A_212 : vector<1x16xf32> to vector<16xf32>
        %swap3A_214 = vector.shape_cast %get3A_179 : vector<16xf32> to vector<1x16xf32>
        tpu.vector_store %arg7[%swap3A_210, %swap3A_211], %swap3A_214 {add = true, strides = array<i32>} : memref<400x64xf32, #tpu.memory_space<vmem>>, vector<1x16xf32>,
        %add3A_215 = arith.constant 250 : i32
        %add3A_216 = arith.addi %add3A_215, %scan3A_48 : i32
        %swap3A_217 = arith.index_cast %add3A_216 : i32 to index
        %swap3A_218 = arith.constant 32 : index
        %swap3A_219 = tpu.vector_load %arg7[%swap3A_217, %swap3A_218] {strides = array<i32>} : memref<400x64xf32, #tpu.memory_space<vmem>>, vector<1x16xf32>,
        %swap3A_220 = vector.shape_cast %swap3A_219 : vector<1x16xf32> to vector<16xf32>
        %swap3A_221 = vector.shape_cast %get3A_179 : vector<16xf32> to vector<1x16xf32>
        tpu.vector_store %arg7[%swap3A_217, %swap3A_218], %swap3A_221 {add = true, strides = array<i32>} : memref<400x64xf32, #tpu.memory_space<vmem>>, vector<1x16xf32>,
        %add3A_222 = arith.constant 300 : i32
        %add3A_223 = arith.addi %add3A_222, %scan3A_48 : i32
        %swap3A_224 = arith.index_cast %add3A_223 : i32 to index
        %swap3A_225 = arith.constant 32 : index
        %swap3A_226 = tpu.vector_load %arg7[%swap3A_224, %swap3A_225] {strides = array<i32>} : memref<400x64xf32, #tpu.memory_space<vmem>>, vector<1x16xf32>,
        %swap3A_227 = vector.shape_cast %swap3A_226 : vector<1x16xf32> to vector<16xf32>
        %swap3A_228 = vector.shape_cast %get3A_179 : vector<16xf32> to vector<1x16xf32>
        tpu.vector_store %arg7[%swap3A_224, %swap3A_225], %swap3A_228 {add = true, strides = array<i32>} : memref<400x64xf32, #tpu.memory_space<vmem>>, vector<1x16xf32>,
        %add3A_229 = arith.constant 350 : i32
        %add3A_230 = arith.addi %add3A_229, %scan3A_48 : i32
        %swap3A_231 = arith.index_cast %add3A_230 : i32 to index
        %swap3A_232 = arith.constant 32 : index
        %swap3A_233 = tpu.vector_load %arg7[%swap3A_231, %swap3A_232] {strides = array<i32>} : memref<400x64xf32, #tpu.memory_space<vmem>>, vector<1x16xf32>,
        %swap3A_234 = vector.shape_cast %swap3A_233 : vector<1x16xf32> to vector<16xf32>
        %swap3A_235 = vector.shape_cast %get3A_179 : vector<16xf32> to vector<1x16xf32>
        tpu.vector_store %arg7[%swap3A_231, %swap3A_232], %swap3A_235 {add = true, strides = array<i32>} : memref<400x64xf32, #tpu.memory_space<vmem>>, vector<1x16xf32>,
        %mul3A_236 = arith.constant 64 : i32
        %mul3A_237 = arith.muli %scan3A_48, %mul3A_236 : i32
        %add3A_238 = arith.constant 48 : i32
        %add3A_239 = arith.addi %mul3A_237, %add3A_238 : i32
        %get3A_240 = arith.index_cast %add3A_239 : i32 to index
        %get3A_241 = tpu.vector_load %arg8[%get3A_240] {strides = array<i32>} : memref<3200xf32, #tpu.memory_space<vmem>>, vector<16xf32>,
        %get3A_242 = vector.shape_cast %get3A_241 : vector<16xf32> to vector<16xf32>
        %add3A_243 = arith.constant 0 : i32
        %add3A_244 = arith.addi %add3A_243, %scan3A_48 : i32
        %swap3A_245 = arith.index_cast %add3A_244 : i32 to index
        %swap3A_246 = arith.constant 48 : index
        %swap3A_247 = tpu.vector_load %arg7[%swap3A_245, %swap3A_246] {strides = array<i32>} : memref<400x64xf32, #tpu.memory_space<vmem>>, vector<1x16xf32>,
        %swap3A_248 = vector.shape_cast %swap3A_247 : vector<1x16xf32> to vector<16xf32>
        %swap3A_249 = vector.shape_cast %get3A_242 : vector<16xf32> to vector<1x16xf32>
        tpu.vector_store %arg7[%swap3A_245, %swap3A_246], %swap3A_249 {add = true, strides = array<i32>} : memref<400x64xf32, #tpu.memory_space<vmem>>, vector<1x16xf32>,
        %add3A_250 = arith.constant 50 : i32
        %add3A_251 = arith.addi %add3A_250, %scan3A_48 : i32
        %swap3A_252 = arith.index_cast %add3A_251 : i32 to index
        %swap3A_253 = arith.constant 48 : index
        %swap3A_254 = tpu.vector_load %arg7[%swap3A_252, %swap3A_253] {strides = array<i32>} : memref<400x64xf32, #tpu.memory_space<vmem>>, vector<1x16xf32>,
        %swap3A_255 = vector.shape_cast %swap3A_254 : vector<1x16xf32> to vector<16xf32>
        %swap3A_256 = vector.shape_cast %get3A_242 : vector<16xf32> to vector<1x16xf32>
        tpu.vector_store %arg7[%swap3A_252, %swap3A_253], %swap3A_256 {add = true, strides = array<i32>} : memref<400x64xf32, #tpu.memory_space<vmem>>, vector<1x16xf32>,
        %add3A_257 = arith.constant 100 : i32
        %add3A_258 = arith.addi %add3A_257, %scan3A_48 : i32
        %swap3A_259 = arith.index_cast %add3A_258 : i32 to index
        %swap3A_260 = arith.constant 48 : index
        %swap3A_261 = tpu.vector_load %arg7[%swap3A_259, %swap3A_260] {strides = array<i32>} : memref<400x64xf32, #tpu.memory_space<vmem>>, vector<1x16xf32>,
        %swap3A_262 = vector.shape_cast %swap3A_261 : vector<1x16xf32> to vector<16xf32>
        %swap3A_263 = vector.shape_cast %get3A_242 : vector<16xf32> to vector<1x16xf32>
        tpu.vector_store %arg7[%swap3A_259, %swap3A_260], %swap3A_263 {add = true, strides = array<i32>} : memref<400x64xf32, #tpu.memory_space<vmem>>, vector<1x16xf32>,
        %add3A_264 = arith.constant 150 : i32
        %add3A_265 = arith.addi %add3A_264, %scan3A_48 : i32
        %swap3A_266 = arith.index_cast %add3A_265 : i32 to index
        %swap3A_267 = arith.constant 48 : index
        %swap3A_268 = tpu.vector_load %arg7[%swap3A_266, %swap3A_267] {strides = array<i32>} : memref<400x64xf32, #tpu.memory_space<vmem>>, vector<1x16xf32>,
        %swap3A_269 = vector.shape_cast %swap3A_268 : vector<1x16xf32> to vector<16xf32>
        %swap3A_270 = vector.shape_cast %get3A_242 : vector<16xf32> to vector<1x16xf32>
        tpu.vector_store %arg7[%swap3A_266, %swap3A_267], %swap3A_270 {add = true, strides = array<i32>} : memref<400x64xf32, #tpu.memory_space<vmem>>, vector<1x16xf32>,
        %add3A_271 = arith.constant 200 : i32
        %add3A_272 = arith.addi %add3A_271, %scan3A_48 : i32
        %swap3A_273 = arith.index_cast %add3A_272 : i32 to index
        %swap3A_274 = arith.constant 48 : index
        %swap3A_275 = tpu.vector_load %arg7[%swap3A_273, %swap3A_274] {strides = array<i32>} : memref<400x64xf32, #tpu.memory_space<vmem>>, vector<1x16xf32>,
        %swap3A_276 = vector.shape_cast %swap3A_275 : vector<1x16xf32> to vector<16xf32>
        %swap3A_277 = vector.shape_cast %get3A_242 : vector<16xf32> to vector<1x16xf32>
        tpu.vector_store %arg7[%swap3A_273, %swap3A_274], %swap3A_277 {add = true, strides = array<i32>} : memref<400x64xf32, #tpu.memory_space<vmem>>, vector<1x16xf32>,
        %add3A_278 = arith.constant 250 : i32
        %add3A_279 = arith.addi %add3A_278, %scan3A_48 : i32
        %swap3A_280 = arith.index_cast %add3A_279 : i32 to index
        %swap3A_281 = arith.constant 48 : index
        %swap3A_282 = tpu.vector_load %arg7[%swap3A_280, %swap3A_281] {strides = array<i32>} : memref<400x64xf32, #tpu.memory_space<vmem>>, vector<1x16xf32>,
        %swap3A_283 = vector.shape_cast %swap3A_282 : vector<1x16xf32> to vector<16xf32>
        %swap3A_284 = vector.shape_cast %get3A_242 : vector<16xf32> to vector<1x16xf32>
        tpu.vector_store %arg7[%swap3A_280, %swap3A_281], %swap3A_284 {add = true, strides = array<i32>} : memref<400x64xf32, #tpu.memory_space<vmem>>, vector<1x16xf32>,
        %add3A_285 = arith.constant 300 : i32
        %add3A_286 = arith.addi %add3A_285, %scan3A_48 : i32
        %swap3A_287 = arith.index_cast %add3A_286 : i32 to index
        %swap3A_288 = arith.constant 48 : index
        %swap3A_289 = tpu.vector_load %arg7[%swap3A_287, %swap3A_288] {strides = array<i32>} : memref<400x64xf32, #tpu.memory_space<vmem>>, vector<1x16xf32>,
        %swap3A_290 = vector.shape_cast %swap3A_289 : vector<1x16xf32> to vector<16xf32>
        %swap3A_291 = vector.shape_cast %get3A_242 : vector<16xf32> to vector<1x16xf32>
        tpu.vector_store %arg7[%swap3A_287, %swap3A_288], %swap3A_291 {add = true, strides = array<i32>} : memref<400x64xf32, #tpu.memory_space<vmem>>, vector<1x16xf32>,
        %add3A_292 = arith.constant 350 : i32
        %add3A_293 = arith.addi %add3A_292, %scan3A_48 : i32
        %swap3A_294 = arith.index_cast %add3A_293 : i32 to index
        %swap3A_295 = arith.constant 48 : index
        %swap3A_296 = tpu.vector_load %arg7[%swap3A_294, %swap3A_295] {strides = array<i32>} : memref<400x64xf32, #tpu.memory_space<vmem>>, vector<1x16xf32>,
        %swap3A_297 = vector.shape_cast %swap3A_296 : vector<1x16xf32> to vector<16xf32>
        %swap3A_298 = vector.shape_cast %get3A_242 : vector<16xf32> to vector<1x16xf32>
        tpu.vector_store %arg7[%swap3A_294, %swap3A_295], %swap3A_298 {add = true, strides = array<i32>} : memref<400x64xf32, #tpu.memory_space<vmem>>, vector<1x16xf32>,
      }
      %scan3A_31 = arith.constant 50 : i32
      %add3A_32 = arith.constant 0 : i32
      %add3A_33 = arith.addi %add3A_11, %add3A_32 : i32
      "tpu.region"() ({
        %run_scoped3A = tpu.sem_alloc : memref<!tpu.dma_semaphore, #tpu.memory_space<semaphore_mem>>
        %dma_start3A = arith.constant 0 : i32
        %dma_start3A_48 = arith.constant 0 : i32
        %dma_start3A_49 = tpu.memref_slice %arg7[%dma_start3A, %dma_start3A_48] : memref<400x64xf32, #tpu.memory_space<vmem>> -> memref<50x64xf32, #tpu.memory_space<vmem>>
        %dma_start3A_50 = arith.constant 0 : i32
        %dma_start3A_51 = arith.constant 0 : i32
        %dma_start3A_52 = tpu.memref_slice %arg5[%add3A_33, %dma_start3A_50, %dma_start3A_51] : memref<4096x50x64xf32, #tpu.memory_space<hbm>> -> memref<1x50x64xf32, #tpu.memory_space<hbm>>
        %dma_start3A_53 = tpu.memref_squeeze %dma_start3A_52 : memref<1x50x64xf32, #tpu.memory_space<hbm>> -> memref<50x64xf32, #tpu.memory_space<hbm>>
        %dma_start3A_54 = arith.constant 0 : i32
        %dma_start3A_55 = arith.constant 0 : i32
        %dma_start3A_56 = tpu.memref_slice %arg5[%add3A_33, %dma_start3A_54, %dma_start3A_55] : memref<4096x50x64xf32, #tpu.memory_space<hbm>> -> memref<1x50x64xf32, #tpu.memory_space<hbm>>
        %dma_start3A_57 = tpu.memref_squeeze %dma_start3A_56 : memref<1x50x64xf32, #tpu.memory_space<hbm>> -> memref<50x64xf32, #tpu.memory_space<hbm>>
        %dma_start3A_58 = arith.constant 0 : i32
        %dma_start3A_59 = arith.constant 0 : i32
        %dma_start3A_60 = tpu.memref_slice %arg7[%dma_start3A_58, %dma_start3A_59] : memref<400x64xf32, #tpu.memory_space<vmem>> -> memref<50x64xf32, #tpu.memory_space<vmem>>
        tpu.enqueue_dma source(%dma_start3A_60 : memref<50x64xf32, #tpu.memory_space<vmem>>) target(%dma_start3A_57 : memref<50x64xf32, #tpu.memory_space<hbm>>) target_semaphore(%run_scoped3A : memref<!tpu.dma_semaphore, #tpu.memory_space<semaphore_mem>>)
        %dma_wait3A = arith.constant 0 : i32
        %dma_wait3A_61 = arith.constant 0 : i32
        %dma_wait3A_62 = tpu.memref_slice %arg7[%dma_wait3A, %dma_wait3A_61] : memref<400x64xf32, #tpu.memory_space<vmem>> -> memref<50x64xf32, #tpu.memory_space<vmem>>
        %dma_wait3A_63 = arith.constant 0 : i32
        %dma_wait3A_64 = arith.constant 0 : i32
        %dma_wait3A_65 = tpu.memref_slice %arg5[%add3A_33, %dma_wait3A_63, %dma_wait3A_64] : memref<4096x50x64xf32, #tpu.memory_space<hbm>> -> memref<1x50x64xf32, #tpu.memory_space<hbm>>
        %dma_wait3A_66 = tpu.memref_squeeze %dma_wait3A_65 : memref<1x50x64xf32, #tpu.memory_space<hbm>> -> memref<50x64xf32, #tpu.memory_space<hbm>>
        %dma_wait3A_67 = arith.constant 0 : i32
        %dma_wait3A_68 = arith.constant 0 : i32
        %dma_wait3A_69 = tpu.memref_slice %arg5[%add3A_33, %dma_wait3A_67, %dma_wait3A_68] : memref<4096x50x64xf32, #tpu.memory_space<hbm>> -> memref<1x50x64xf32, #tpu.memory_space<hbm>>
        %dma_wait3A_70 = tpu.memref_squeeze %dma_wait3A_69 : memref<1x50x64xf32, #tpu.memory_space<hbm>> -> memref<50x64xf32, #tpu.memory_space<hbm>>
        %dma_wait3A_71 = arith.constant 0 : i32
        %dma_wait3A_72 = arith.constant 0 : i32
        %dma_wait3A_73 = tpu.memref_slice %arg7[%dma_wait3A_71, %dma_wait3A_72] : memref<400x64xf32, #tpu.memory_space<vmem>> -> memref<50x64xf32, #tpu.memory_space<vmem>>
        tpu.wait_dma2 semaphore(%run_scoped3A : memref<!tpu.dma_semaphore, #tpu.memory_space<semaphore_mem>>) src(%dma_wait3A_73 : memref<50x64xf32, #tpu.memory_space<vmem>>) dst(%dma_wait3A_70 : memref<50x64xf32, #tpu.memory_space<hbm>>)
        tpu.yield
      }) : () -> ()
      %add3A_34 = arith.constant 1 : i32
      %add3A_35 = arith.addi %add3A_11, %add3A_34 : i32
      "tpu.region"() ({
        %run_scoped3A = tpu.sem_alloc : memref<!tpu.dma_semaphore, #tpu.memory_space<semaphore_mem>>
        %dma_start3A = arith.constant 50 : i32
        %dma_start3A_48 = arith.constant 0 : i32
        %dma_start3A_49 = tpu.memref_slice %arg7[%dma_start3A, %dma_start3A_48] : memref<400x64xf32, #tpu.memory_space<vmem>> -> memref<50x64xf32, #tpu.memory_space<vmem>>
        %dma_start3A_50 = arith.constant 0 : i32
        %dma_start3A_51 = arith.constant 0 : i32
        %dma_start3A_52 = tpu.memref_slice %arg5[%add3A_35, %dma_start3A_50, %dma_start3A_51] : memref<4096x50x64xf32, #tpu.memory_space<hbm>> -> memref<1x50x64xf32, #tpu.memory_space<hbm>>
        %dma_start3A_53 = tpu.memref_squeeze %dma_start3A_52 : memref<1x50x64xf32, #tpu.memory_space<hbm>> -> memref<50x64xf32, #tpu.memory_space<hbm>>
        %dma_start3A_54 = arith.constant 0 : i32
        %dma_start3A_55 = arith.constant 0 : i32
        %dma_start3A_56 = tpu.memref_slice %arg5[%add3A_35, %dma_start3A_54, %dma_start3A_55] : memref<4096x50x64xf32, #tpu.memory_space<hbm>> -> memref<1x50x64xf32, #tpu.memory_space<hbm>>
        %dma_start3A_57 = tpu.memref_squeeze %dma_start3A_56 : memref<1x50x64xf32, #tpu.memory_space<hbm>> -> memref<50x64xf32, #tpu.memory_space<hbm>>
        %dma_start3A_58 = arith.constant 50 : i32
        %dma_start3A_59 = arith.constant 0 : i32
        %dma_start3A_60 = tpu.memref_slice %arg7[%dma_start3A_58, %dma_start3A_59] : memref<400x64xf32, #tpu.memory_space<vmem>> -> memref<50x64xf32, #tpu.memory_space<vmem>>
        tpu.enqueue_dma source(%dma_start3A_60 : memref<50x64xf32, #tpu.memory_space<vmem>>) target(%dma_start3A_57 : memref<50x64xf32, #tpu.memory_space<hbm>>) target_semaphore(%run_scoped3A : memref<!tpu.dma_semaphore, #tpu.memory_space<semaphore_mem>>)
        %dma_wait3A = arith.constant 50 : i32
        %dma_wait3A_61 = arith.constant 0 : i32
        %dma_wait3A_62 = tpu.memref_slice %arg7[%dma_wait3A, %dma_wait3A_61] : memref<400x64xf32, #tpu.memory_space<vmem>> -> memref<50x64xf32, #tpu.memory_space<vmem>>
        %dma_wait3A_63 = arith.constant 0 : i32
        %dma_wait3A_64 = arith.constant 0 : i32
        %dma_wait3A_65 = tpu.memref_slice %arg5[%add3A_35, %dma_wait3A_63, %dma_wait3A_64] : memref<4096x50x64xf32, #tpu.memory_space<hbm>> -> memref<1x50x64xf32, #tpu.memory_space<hbm>>
        %dma_wait3A_66 = tpu.memref_squeeze %dma_wait3A_65 : memref<1x50x64xf32, #tpu.memory_space<hbm>> -> memref<50x64xf32, #tpu.memory_space<hbm>>
        %dma_wait3A_67 = arith.constant 0 : i32
        %dma_wait3A_68 = arith.constant 0 : i32
        %dma_wait3A_69 = tpu.memref_slice %arg5[%add3A_35, %dma_wait3A_67, %dma_wait3A_68] : memref<4096x50x64xf32, #tpu.memory_space<hbm>> -> memref<1x50x64xf32, #tpu.memory_space<hbm>>
        %dma_wait3A_70 = tpu.memref_squeeze %dma_wait3A_69 : memref<1x50x64xf32, #tpu.memory_space<hbm>> -> memref<50x64xf32, #tpu.memory_space<hbm>>
        %dma_wait3A_71 = arith.constant 50 : i32
        %dma_wait3A_72 = arith.constant 0 : i32
        %dma_wait3A_73 = tpu.memref_slice %arg7[%dma_wait3A_71, %dma_wait3A_72] : memref<400x64xf32, #tpu.memory_space<vmem>> -> memref<50x64xf32, #tpu.memory_space<vmem>>
        tpu.wait_dma2 semaphore(%run_scoped3A : memref<!tpu.dma_semaphore, #tpu.memory_space<semaphore_mem>>) src(%dma_wait3A_73 : memref<50x64xf32, #tpu.memory_space<vmem>>) dst(%dma_wait3A_70 : memref<50x64xf32, #tpu.memory_space<hbm>>)
        tpu.yield
      }) : () -> ()
      %add3A_36 = arith.constant 2 : i32
      %add3A_37 = arith.addi %add3A_11, %add3A_36 : i32
      "tpu.region"() ({
        %run_scoped3A = tpu.sem_alloc : memref<!tpu.dma_semaphore, #tpu.memory_space<semaphore_mem>>
        %dma_start3A = arith.constant 100 : i32
        %dma_start3A_48 = arith.constant 0 : i32
        %dma_start3A_49 = tpu.memref_slice %arg7[%dma_start3A, %dma_start3A_48] : memref<400x64xf32, #tpu.memory_space<vmem>> -> memref<50x64xf32, #tpu.memory_space<vmem>>
        %dma_start3A_50 = arith.constant 0 : i32
        %dma_start3A_51 = arith.constant 0 : i32
        %dma_start3A_52 = tpu.memref_slice %arg5[%add3A_37, %dma_start3A_50, %dma_start3A_51] : memref<4096x50x64xf32, #tpu.memory_space<hbm>> -> memref<1x50x64xf32, #tpu.memory_space<hbm>>
        %dma_start3A_53 = tpu.memref_squeeze %dma_start3A_52 : memref<1x50x64xf32, #tpu.memory_space<hbm>> -> memref<50x64xf32, #tpu.memory_space<hbm>>
        %dma_start3A_54 = arith.constant 0 : i32
        %dma_start3A_55 = arith.constant 0 : i32
        %dma_start3A_56 = tpu.memref_slice %arg5[%add3A_37, %dma_start3A_54, %dma_start3A_55] : memref<4096x50x64xf32, #tpu.memory_space<hbm>> -> memref<1x50x64xf32, #tpu.memory_space<hbm>>
        %dma_start3A_57 = tpu.memref_squeeze %dma_start3A_56 : memref<1x50x64xf32, #tpu.memory_space<hbm>> -> memref<50x64xf32, #tpu.memory_space<hbm>>
        %dma_start3A_58 = arith.constant 100 : i32
        %dma_start3A_59 = arith.constant 0 : i32
        %dma_start3A_60 = tpu.memref_slice %arg7[%dma_start3A_58, %dma_start3A_59] : memref<400x64xf32, #tpu.memory_space<vmem>> -> memref<50x64xf32, #tpu.memory_space<vmem>>
        tpu.enqueue_dma source(%dma_start3A_60 : memref<50x64xf32, #tpu.memory_space<vmem>>) target(%dma_start3A_57 : memref<50x64xf32, #tpu.memory_space<hbm>>) target_semaphore(%run_scoped3A : memref<!tpu.dma_semaphore, #tpu.memory_space<semaphore_mem>>)
        %dma_wait3A = arith.constant 100 : i32
        %dma_wait3A_61 = arith.constant 0 : i32
        %dma_wait3A_62 = tpu.memref_slice %arg7[%dma_wait3A, %dma_wait3A_61] : memref<400x64xf32, #tpu.memory_space<vmem>> -> memref<50x64xf32, #tpu.memory_space<vmem>>
        %dma_wait3A_63 = arith.constant 0 : i32
        %dma_wait3A_64 = arith.constant 0 : i32
        %dma_wait3A_65 = tpu.memref_slice %arg5[%add3A_37, %dma_wait3A_63, %dma_wait3A_64] : memref<4096x50x64xf32, #tpu.memory_space<hbm>> -> memref<1x50x64xf32, #tpu.memory_space<hbm>>
        %dma_wait3A_66 = tpu.memref_squeeze %dma_wait3A_65 : memref<1x50x64xf32, #tpu.memory_space<hbm>> -> memref<50x64xf32, #tpu.memory_space<hbm>>
        %dma_wait3A_67 = arith.constant 0 : i32
        %dma_wait3A_68 = arith.constant 0 : i32
        %dma_wait3A_69 = tpu.memref_slice %arg5[%add3A_37, %dma_wait3A_67, %dma_wait3A_68] : memref<4096x50x64xf32, #tpu.memory_space<hbm>> -> memref<1x50x64xf32, #tpu.memory_space<hbm>>
        %dma_wait3A_70 = tpu.memref_squeeze %dma_wait3A_69 : memref<1x50x64xf32, #tpu.memory_space<hbm>> -> memref<50x64xf32, #tpu.memory_space<hbm>>
        %dma_wait3A_71 = arith.constant 100 : i32
        %dma_wait3A_72 = arith.constant 0 : i32
        %dma_wait3A_73 = tpu.memref_slice %arg7[%dma_wait3A_71, %dma_wait3A_72] : memref<400x64xf32, #tpu.memory_space<vmem>> -> memref<50x64xf32, #tpu.memory_space<vmem>>
        tpu.wait_dma2 semaphore(%run_scoped3A : memref<!tpu.dma_semaphore, #tpu.memory_space<semaphore_mem>>) src(%dma_wait3A_73 : memref<50x64xf32, #tpu.memory_space<vmem>>) dst(%dma_wait3A_70 : memref<50x64xf32, #tpu.memory_space<hbm>>)
        tpu.yield
      }) : () -> ()
      %add3A_38 = arith.constant 3 : i32
      %add3A_39 = arith.addi %add3A_11, %add3A_38 : i32
      "tpu.region"() ({
        %run_scoped3A = tpu.sem_alloc : memref<!tpu.dma_semaphore, #tpu.memory_space<semaphore_mem>>
        %dma_start3A = arith.constant 150 : i32
        %dma_start3A_48 = arith.constant 0 : i32
        %dma_start3A_49 = tpu.memref_slice %arg7[%dma_start3A, %dma_start3A_48] : memref<400x64xf32, #tpu.memory_space<vmem>> -> memref<50x64xf32, #tpu.memory_space<vmem>>
        %dma_start3A_50 = arith.constant 0 : i32
        %dma_start3A_51 = arith.constant 0 : i32
        %dma_start3A_52 = tpu.memref_slice %arg5[%add3A_39, %dma_start3A_50, %dma_start3A_51] : memref<4096x50x64xf32, #tpu.memory_space<hbm>> -> memref<1x50x64xf32, #tpu.memory_space<hbm>>
        %dma_start3A_53 = tpu.memref_squeeze %dma_start3A_52 : memref<1x50x64xf32, #tpu.memory_space<hbm>> -> memref<50x64xf32, #tpu.memory_space<hbm>>
        %dma_start3A_54 = arith.constant 0 : i32
        %dma_start3A_55 = arith.constant 0 : i32
        %dma_start3A_56 = tpu.memref_slice %arg5[%add3A_39, %dma_start3A_54, %dma_start3A_55] : memref<4096x50x64xf32, #tpu.memory_space<hbm>> -> memref<1x50x64xf32, #tpu.memory_space<hbm>>
        %dma_start3A_57 = tpu.memref_squeeze %dma_start3A_56 : memref<1x50x64xf32, #tpu.memory_space<hbm>> -> memref<50x64xf32, #tpu.memory_space<hbm>>
        %dma_start3A_58 = arith.constant 150 : i32
        %dma_start3A_59 = arith.constant 0 : i32
        %dma_start3A_60 = tpu.memref_slice %arg7[%dma_start3A_58, %dma_start3A_59] : memref<400x64xf32, #tpu.memory_space<vmem>> -> memref<50x64xf32, #tpu.memory_space<vmem>>
        tpu.enqueue_dma source(%dma_start3A_60 : memref<50x64xf32, #tpu.memory_space<vmem>>) target(%dma_start3A_57 : memref<50x64xf32, #tpu.memory_space<hbm>>) target_semaphore(%run_scoped3A : memref<!tpu.dma_semaphore, #tpu.memory_space<semaphore_mem>>)
        %dma_wait3A = arith.constant 150 : i32
        %dma_wait3A_61 = arith.constant 0 : i32
        %dma_wait3A_62 = tpu.memref_slice %arg7[%dma_wait3A, %dma_wait3A_61] : memref<400x64xf32, #tpu.memory_space<vmem>> -> memref<50x64xf32, #tpu.memory_space<vmem>>
        %dma_wait3A_63 = arith.constant 0 : i32
        %dma_wait3A_64 = arith.constant 0 : i32
        %dma_wait3A_65 = tpu.memref_slice %arg5[%add3A_39, %dma_wait3A_63, %dma_wait3A_64] : memref<4096x50x64xf32, #tpu.memory_space<hbm>> -> memref<1x50x64xf32, #tpu.memory_space<hbm>>
        %dma_wait3A_66 = tpu.memref_squeeze %dma_wait3A_65 : memref<1x50x64xf32, #tpu.memory_space<hbm>> -> memref<50x64xf32, #tpu.memory_space<hbm>>
        %dma_wait3A_67 = arith.constant 0 : i32
        %dma_wait3A_68 = arith.constant 0 : i32
        %dma_wait3A_69 = tpu.memref_slice %arg5[%add3A_39, %dma_wait3A_67, %dma_wait3A_68] : memref<4096x50x64xf32, #tpu.memory_space<hbm>> -> memref<1x50x64xf32, #tpu.memory_space<hbm>>
        %dma_wait3A_70 = tpu.memref_squeeze %dma_wait3A_69 : memref<1x50x64xf32, #tpu.memory_space<hbm>> -> memref<50x64xf32, #tpu.memory_space<hbm>>
        %dma_wait3A_71 = arith.constant 150 : i32
        %dma_wait3A_72 = arith.constant 0 : i32
        %dma_wait3A_73 = tpu.memref_slice %arg7[%dma_wait3A_71, %dma_wait3A_72] : memref<400x64xf32, #tpu.memory_space<vmem>> -> memref<50x64xf32, #tpu.memory_space<vmem>>
        tpu.wait_dma2 semaphore(%run_scoped3A : memref<!tpu.dma_semaphore, #tpu.memory_space<semaphore_mem>>) src(%dma_wait3A_73 : memref<50x64xf32, #tpu.memory_space<vmem>>) dst(%dma_wait3A_70 : memref<50x64xf32, #tpu.memory_space<hbm>>)
        tpu.yield
      }) : () -> ()
      %add3A_40 = arith.constant 4 : i32
      %add3A_41 = arith.addi %add3A_11, %add3A_40 : i32
      "tpu.region"() ({
        %run_scoped3A = tpu.sem_alloc : memref<!tpu.dma_semaphore, #tpu.memory_space<semaphore_mem>>
        %dma_start3A = arith.constant 200 : i32
        %dma_start3A_48 = arith.constant 0 : i32
        %dma_start3A_49 = tpu.memref_slice %arg7[%dma_start3A, %dma_start3A_48] : memref<400x64xf32, #tpu.memory_space<vmem>> -> memref<50x64xf32, #tpu.memory_space<vmem>>
        %dma_start3A_50 = arith.constant 0 : i32
        %dma_start3A_51 = arith.constant 0 : i32
        %dma_start3A_52 = tpu.memref_slice %arg5[%add3A_41, %dma_start3A_50, %dma_start3A_51] : memref<4096x50x64xf32, #tpu.memory_space<hbm>> -> memref<1x50x64xf32, #tpu.memory_space<hbm>>
        %dma_start3A_53 = tpu.memref_squeeze %dma_start3A_52 : memref<1x50x64xf32, #tpu.memory_space<hbm>> -> memref<50x64xf32, #tpu.memory_space<hbm>>
        %dma_start3A_54 = arith.constant 0 : i32
        %dma_start3A_55 = arith.constant 0 : i32
        %dma_start3A_56 = tpu.memref_slice %arg5[%add3A_41, %dma_start3A_54, %dma_start3A_55] : memref<4096x50x64xf32, #tpu.memory_space<hbm>> -> memref<1x50x64xf32, #tpu.memory_space<hbm>>
        %dma_start3A_57 = tpu.memref_squeeze %dma_start3A_56 : memref<1x50x64xf32, #tpu.memory_space<hbm>> -> memref<50x64xf32, #tpu.memory_space<hbm>>
        %dma_start3A_58 = arith.constant 200 : i32
        %dma_start3A_59 = arith.constant 0 : i32
        %dma_start3A_60 = tpu.memref_slice %arg7[%dma_start3A_58, %dma_start3A_59] : memref<400x64xf32, #tpu.memory_space<vmem>> -> memref<50x64xf32, #tpu.memory_space<vmem>>
        tpu.enqueue_dma source(%dma_start3A_60 : memref<50x64xf32, #tpu.memory_space<vmem>>) target(%dma_start3A_57 : memref<50x64xf32, #tpu.memory_space<hbm>>) target_semaphore(%run_scoped3A : memref<!tpu.dma_semaphore, #tpu.memory_space<semaphore_mem>>)
        %dma_wait3A = arith.constant 200 : i32
        %dma_wait3A_61 = arith.constant 0 : i32
        %dma_wait3A_62 = tpu.memref_slice %arg7[%dma_wait3A, %dma_wait3A_61] : memref<400x64xf32, #tpu.memory_space<vmem>> -> memref<50x64xf32, #tpu.memory_space<vmem>>
        %dma_wait3A_63 = arith.constant 0 : i32
        %dma_wait3A_64 = arith.constant 0 : i32
        %dma_wait3A_65 = tpu.memref_slice %arg5[%add3A_41, %dma_wait3A_63, %dma_wait3A_64] : memref<4096x50x64xf32, #tpu.memory_space<hbm>> -> memref<1x50x64xf32, #tpu.memory_space<hbm>>
        %dma_wait3A_66 = tpu.memref_squeeze %dma_wait3A_65 : memref<1x50x64xf32, #tpu.memory_space<hbm>> -> memref<50x64xf32, #tpu.memory_space<hbm>>
        %dma_wait3A_67 = arith.constant 0 : i32
        %dma_wait3A_68 = arith.constant 0 : i32
        %dma_wait3A_69 = tpu.memref_slice %arg5[%add3A_41, %dma_wait3A_67, %dma_wait3A_68] : memref<4096x50x64xf32, #tpu.memory_space<hbm>> -> memref<1x50x64xf32, #tpu.memory_space<hbm>>
        %dma_wait3A_70 = tpu.memref_squeeze %dma_wait3A_69 : memref<1x50x64xf32, #tpu.memory_space<hbm>> -> memref<50x64xf32, #tpu.memory_space<hbm>>
        %dma_wait3A_71 = arith.constant 200 : i32
        %dma_wait3A_72 = arith.constant 0 : i32
        %dma_wait3A_73 = tpu.memref_slice %arg7[%dma_wait3A_71, %dma_wait3A_72] : memref<400x64xf32, #tpu.memory_space<vmem>> -> memref<50x64xf32, #tpu.memory_space<vmem>>
        tpu.wait_dma2 semaphore(%run_scoped3A : memref<!tpu.dma_semaphore, #tpu.memory_space<semaphore_mem>>) src(%dma_wait3A_73 : memref<50x64xf32, #tpu.memory_space<vmem>>) dst(%dma_wait3A_70 : memref<50x64xf32, #tpu.memory_space<hbm>>)
        tpu.yield
      }) : () -> ()
      %add3A_42 = arith.constant 5 : i32
      %add3A_43 = arith.addi %add3A_11, %add3A_42 : i32
      "tpu.region"() ({
        %run_scoped3A = tpu.sem_alloc : memref<!tpu.dma_semaphore, #tpu.memory_space<semaphore_mem>>
        %dma_start3A = arith.constant 250 : i32
        %dma_start3A_48 = arith.constant 0 : i32
        %dma_start3A_49 = tpu.memref_slice %arg7[%dma_start3A, %dma_start3A_48] : memref<400x64xf32, #tpu.memory_space<vmem>> -> memref<50x64xf32, #tpu.memory_space<vmem>>
        %dma_start3A_50 = arith.constant 0 : i32
        %dma_start3A_51 = arith.constant 0 : i32
        %dma_start3A_52 = tpu.memref_slice %arg5[%add3A_43, %dma_start3A_50, %dma_start3A_51] : memref<4096x50x64xf32, #tpu.memory_space<hbm>> -> memref<1x50x64xf32, #tpu.memory_space<hbm>>
        %dma_start3A_53 = tpu.memref_squeeze %dma_start3A_52 : memref<1x50x64xf32, #tpu.memory_space<hbm>> -> memref<50x64xf32, #tpu.memory_space<hbm>>
        %dma_start3A_54 = arith.constant 0 : i32
        %dma_start3A_55 = arith.constant 0 : i32
        %dma_start3A_56 = tpu.memref_slice %arg5[%add3A_43, %dma_start3A_54, %dma_start3A_55] : memref<4096x50x64xf32, #tpu.memory_space<hbm>> -> memref<1x50x64xf32, #tpu.memory_space<hbm>>
        %dma_start3A_57 = tpu.memref_squeeze %dma_start3A_56 : memref<1x50x64xf32, #tpu.memory_space<hbm>> -> memref<50x64xf32, #tpu.memory_space<hbm>>
        %dma_start3A_58 = arith.constant 250 : i32
        %dma_start3A_59 = arith.constant 0 : i32
        %dma_start3A_60 = tpu.memref_slice %arg7[%dma_start3A_58, %dma_start3A_59] : memref<400x64xf32, #tpu.memory_space<vmem>> -> memref<50x64xf32, #tpu.memory_space<vmem>>
        tpu.enqueue_dma source(%dma_start3A_60 : memref<50x64xf32, #tpu.memory_space<vmem>>) target(%dma_start3A_57 : memref<50x64xf32, #tpu.memory_space<hbm>>) target_semaphore(%run_scoped3A : memref<!tpu.dma_semaphore, #tpu.memory_space<semaphore_mem>>)
        %dma_wait3A = arith.constant 250 : i32
        %dma_wait3A_61 = arith.constant 0 : i32
        %dma_wait3A_62 = tpu.memref_slice %arg7[%dma_wait3A, %dma_wait3A_61] : memref<400x64xf32, #tpu.memory_space<vmem>> -> memref<50x64xf32, #tpu.memory_space<vmem>>
        %dma_wait3A_63 = arith.constant 0 : i32
        %dma_wait3A_64 = arith.constant 0 : i32
        %dma_wait3A_65 = tpu.memref_slice %arg5[%add3A_43, %dma_wait3A_63, %dma_wait3A_64] : memref<4096x50x64xf32, #tpu.memory_space<hbm>> -> memref<1x50x64xf32, #tpu.memory_space<hbm>>
        %dma_wait3A_66 = tpu.memref_squeeze %dma_wait3A_65 : memref<1x50x64xf32, #tpu.memory_space<hbm>> -> memref<50x64xf32, #tpu.memory_space<hbm>>
        %dma_wait3A_67 = arith.constant 0 : i32
        %dma_wait3A_68 = arith.constant 0 : i32
        %dma_wait3A_69 = tpu.memref_slice %arg5[%add3A_43, %dma_wait3A_67, %dma_wait3A_68] : memref<4096x50x64xf32, #tpu.memory_space<hbm>> -> memref<1x50x64xf32, #tpu.memory_space<hbm>>
        %dma_wait3A_70 = tpu.memref_squeeze %dma_wait3A_69 : memref<1x50x64xf32, #tpu.memory_space<hbm>> -> memref<50x64xf32, #tpu.memory_space<hbm>>
        %dma_wait3A_71 = arith.constant 250 : i32
        %dma_wait3A_72 = arith.constant 0 : i32
        %dma_wait3A_73 = tpu.memref_slice %arg7[%dma_wait3A_71, %dma_wait3A_72] : memref<400x64xf32, #tpu.memory_space<vmem>> -> memref<50x64xf32, #tpu.memory_space<vmem>>
        tpu.wait_dma2 semaphore(%run_scoped3A : memref<!tpu.dma_semaphore, #tpu.memory_space<semaphore_mem>>) src(%dma_wait3A_73 : memref<50x64xf32, #tpu.memory_space<vmem>>) dst(%dma_wait3A_70 : memref<50x64xf32, #tpu.memory_space<hbm>>)
        tpu.yield
      }) : () -> ()
      %add3A_44 = arith.constant 6 : i32
      %add3A_45 = arith.addi %add3A_11, %add3A_44 : i32
      "tpu.region"() ({
        %run_scoped3A = tpu.sem_alloc : memref<!tpu.dma_semaphore, #tpu.memory_space<semaphore_mem>>
        %dma_start3A = arith.constant 300 : i32
        %dma_start3A_48 = arith.constant 0 : i32
        %dma_start3A_49 = tpu.memref_slice %arg7[%dma_start3A, %dma_start3A_48] : memref<400x64xf32, #tpu.memory_space<vmem>> -> memref<50x64xf32, #tpu.memory_space<vmem>>
        %dma_start3A_50 = arith.constant 0 : i32
        %dma_start3A_51 = arith.constant 0 : i32
        %dma_start3A_52 = tpu.memref_slice %arg5[%add3A_45, %dma_start3A_50, %dma_start3A_51] : memref<4096x50x64xf32, #tpu.memory_space<hbm>> -> memref<1x50x64xf32, #tpu.memory_space<hbm>>
        %dma_start3A_53 = tpu.memref_squeeze %dma_start3A_52 : memref<1x50x64xf32, #tpu.memory_space<hbm>> -> memref<50x64xf32, #tpu.memory_space<hbm>>
        %dma_start3A_54 = arith.constant 0 : i32
        %dma_start3A_55 = arith.constant 0 : i32
        %dma_start3A_56 = tpu.memref_slice %arg5[%add3A_45, %dma_start3A_54, %dma_start3A_55] : memref<4096x50x64xf32, #tpu.memory_space<hbm>> -> memref<1x50x64xf32, #tpu.memory_space<hbm>>
        %dma_start3A_57 = tpu.memref_squeeze %dma_start3A_56 : memref<1x50x64xf32, #tpu.memory_space<hbm>> -> memref<50x64xf32, #tpu.memory_space<hbm>>
        %dma_start3A_58 = arith.constant 300 : i32
        %dma_start3A_59 = arith.constant 0 : i32
        %dma_start3A_60 = tpu.memref_slice %arg7[%dma_start3A_58, %dma_start3A_59] : memref<400x64xf32, #tpu.memory_space<vmem>> -> memref<50x64xf32, #tpu.memory_space<vmem>>
        tpu.enqueue_dma source(%dma_start3A_60 : memref<50x64xf32, #tpu.memory_space<vmem>>) target(%dma_start3A_57 : memref<50x64xf32, #tpu.memory_space<hbm>>) target_semaphore(%run_scoped3A : memref<!tpu.dma_semaphore, #tpu.memory_space<semaphore_mem>>)
        %dma_wait3A = arith.constant 300 : i32
        %dma_wait3A_61 = arith.constant 0 : i32
        %dma_wait3A_62 = tpu.memref_slice %arg7[%dma_wait3A, %dma_wait3A_61] : memref<400x64xf32, #tpu.memory_space<vmem>> -> memref<50x64xf32, #tpu.memory_space<vmem>>
        %dma_wait3A_63 = arith.constant 0 : i32
        %dma_wait3A_64 = arith.constant 0 : i32
        %dma_wait3A_65 = tpu.memref_slice %arg5[%add3A_45, %dma_wait3A_63, %dma_wait3A_64] : memref<4096x50x64xf32, #tpu.memory_space<hbm>> -> memref<1x50x64xf32, #tpu.memory_space<hbm>>
        %dma_wait3A_66 = tpu.memref_squeeze %dma_wait3A_65 : memref<1x50x64xf32, #tpu.memory_space<hbm>> -> memref<50x64xf32, #tpu.memory_space<hbm>>
        %dma_wait3A_67 = arith.constant 0 : i32
        %dma_wait3A_68 = arith.constant 0 : i32
        %dma_wait3A_69 = tpu.memref_slice %arg5[%add3A_45, %dma_wait3A_67, %dma_wait3A_68] : memref<4096x50x64xf32, #tpu.memory_space<hbm>> -> memref<1x50x64xf32, #tpu.memory_space<hbm>>
        %dma_wait3A_70 = tpu.memref_squeeze %dma_wait3A_69 : memref<1x50x64xf32, #tpu.memory_space<hbm>> -> memref<50x64xf32, #tpu.memory_space<hbm>>
        %dma_wait3A_71 = arith.constant 300 : i32
        %dma_wait3A_72 = arith.constant 0 : i32
        %dma_wait3A_73 = tpu.memref_slice %arg7[%dma_wait3A_71, %dma_wait3A_72] : memref<400x64xf32, #tpu.memory_space<vmem>> -> memref<50x64xf32, #tpu.memory_space<vmem>>
        tpu.wait_dma2 semaphore(%run_scoped3A : memref<!tpu.dma_semaphore, #tpu.memory_space<semaphore_mem>>) src(%dma_wait3A_73 : memref<50x64xf32, #tpu.memory_space<vmem>>) dst(%dma_wait3A_70 : memref<50x64xf32, #tpu.memory_space<hbm>>)
        tpu.yield
      }) : () -> ()
      %add3A_46 = arith.constant 7 : i32
      %add3A_47 = arith.addi %add3A_11, %add3A_46 : i32
      "tpu.region"() ({
        %run_scoped3A = tpu.sem_alloc : memref<!tpu.dma_semaphore, #tpu.memory_space<semaphore_mem>>
        %dma_start3A = arith.constant 350 : i32
        %dma_start3A_48 = arith.constant 0 : i32
        %dma_start3A_49 = tpu.memref_slice %arg7[%dma_start3A, %dma_start3A_48] : memref<400x64xf32, #tpu.memory_space<vmem>> -> memref<50x64xf32, #tpu.memory_space<vmem>>
        %dma_start3A_50 = arith.constant 0 : i32
        %dma_start3A_51 = arith.constant 0 : i32
        %dma_start3A_52 = tpu.memref_slice %arg5[%add3A_47, %dma_start3A_50, %dma_start3A_51] : memref<4096x50x64xf32, #tpu.memory_space<hbm>> -> memref<1x50x64xf32, #tpu.memory_space<hbm>>
        %dma_start3A_53 = tpu.memref_squeeze %dma_start3A_52 : memref<1x50x64xf32, #tpu.memory_space<hbm>> -> memref<50x64xf32, #tpu.memory_space<hbm>>
        %dma_start3A_54 = arith.constant 0 : i32
        %dma_start3A_55 = arith.constant 0 : i32
        %dma_start3A_56 = tpu.memref_slice %arg5[%add3A_47, %dma_start3A_54, %dma_start3A_55] : memref<4096x50x64xf32, #tpu.memory_space<hbm>> -> memref<1x50x64xf32, #tpu.memory_space<hbm>>
        %dma_start3A_57 = tpu.memref_squeeze %dma_start3A_56 : memref<1x50x64xf32, #tpu.memory_space<hbm>> -> memref<50x64xf32, #tpu.memory_space<hbm>>
        %dma_start3A_58 = arith.constant 350 : i32
        %dma_start3A_59 = arith.constant 0 : i32
        %dma_start3A_60 = tpu.memref_slice %arg7[%dma_start3A_58, %dma_start3A_59] : memref<400x64xf32, #tpu.memory_space<vmem>> -> memref<50x64xf32, #tpu.memory_space<vmem>>
        tpu.enqueue_dma source(%dma_start3A_60 : memref<50x64xf32, #tpu.memory_space<vmem>>) target(%dma_start3A_57 : memref<50x64xf32, #tpu.memory_space<hbm>>) target_semaphore(%run_scoped3A : memref<!tpu.dma_semaphore, #tpu.memory_space<semaphore_mem>>)
        %dma_wait3A = arith.constant 350 : i32
        %dma_wait3A_61 = arith.constant 0 : i32
        %dma_wait3A_62 = tpu.memref_slice %arg7[%dma_wait3A, %dma_wait3A_61] : memref<400x64xf32, #tpu.memory_space<vmem>> -> memref<50x64xf32, #tpu.memory_space<vmem>>
        %dma_wait3A_63 = arith.constant 0 : i32
        %dma_wait3A_64 = arith.constant 0 : i32
        %dma_wait3A_65 = tpu.memref_slice %arg5[%add3A_47, %dma_wait3A_63, %dma_wait3A_64] : memref<4096x50x64xf32, #tpu.memory_space<hbm>> -> memref<1x50x64xf32, #tpu.memory_space<hbm>>
        %dma_wait3A_66 = tpu.memref_squeeze %dma_wait3A_65 : memref<1x50x64xf32, #tpu.memory_space<hbm>> -> memref<50x64xf32, #tpu.memory_space<hbm>>
        %dma_wait3A_67 = arith.constant 0 : i32
        %dma_wait3A_68 = arith.constant 0 : i32
        %dma_wait3A_69 = tpu.memref_slice %arg5[%add3A_47, %dma_wait3A_67, %dma_wait3A_68] : memref<4096x50x64xf32, #tpu.memory_space<hbm>> -> memref<1x50x64xf32, #tpu.memory_space<hbm>>
        %dma_wait3A_70 = tpu.memref_squeeze %dma_wait3A_69 : memref<1x50x64xf32, #tpu.memory_space<hbm>> -> memref<50x64xf32, #tpu.memory_space<hbm>>
        %dma_wait3A_71 = arith.constant 350 : i32
        %dma_wait3A_72 = arith.constant 0 : i32
        %dma_wait3A_73 = tpu.memref_slice %arg7[%dma_wait3A_71, %dma_wait3A_72] : memref<400x64xf32, #tpu.memory_space<vmem>> -> memref<50x64xf32, #tpu.memory_space<vmem>>
        tpu.wait_dma2 semaphore(%run_scoped3A : memref<!tpu.dma_semaphore, #tpu.memory_space<semaphore_mem>>) src(%dma_wait3A_73 : memref<50x64xf32, #tpu.memory_space<vmem>>) dst(%dma_wait3A_70 : memref<50x64xf32, #tpu.memory_space<hbm>>)
        tpu.yield
      }) : () -> ()
    }
    %scan3A_5 = arith.constant 16 : i32
    return
  }
}

module attributes {stable_mosaic.version = 14 : i64} {
  func.func @_transpose_body(%arg0: i32, %arg1: memref<64x512xf32, #tpu.memory_space<vmem>>, %arg2: memref<512x64xf32, #tpu.memory_space<vmem>>) attributes {dimension_semantics = [#tpu.dimension_semantics<arbitrary>], iteration_bounds = array<i64: 1954>, scalar_prefetch = 0 : i64, scratch_operands = 0 : i64, tpu.core_type = #tpu.core_type<tc>, window_params = [{transform_indices = @transform_0, window_bounds = array<i64: 64, 512>}, {transform_indices = @transform_1, window_bounds = array<i64: 512, 64>}]} {
    %get3A = arith.constant 0 : index
    %get3A_0 = arith.constant 0 : index
    %get3A_1 = vector.load %arg1[%get3A, %get3A_0] : memref<64x512xf32, #tpu.memory_space<vmem>>, vector<64x512xf32>
    %transpose3A = tpu.transpose %get3A_1, [1, 0] : vector<64x512xf32> -> vector<512x64xf32>
    %swap3A = arith.constant 0 : index
    %swap3A_2 = arith.constant 0 : index
    %swap3A_3 = vector.load %arg2[%swap3A, %swap3A_2] : memref<512x64xf32, #tpu.memory_space<vmem>>, vector<512x64xf32>
    tpu.vector_store %arg2[%swap3A, %swap3A_2], %transpose3A {strides = array<i32>} : memref<512x64xf32, #tpu.memory_space<vmem>>, vector<512x64xf32>,
    return
  }
  func.func @transform_0(%arg0: i32) -> (i32, i32) {
    %c0_i32 = arith.constant 0 : i32
    %c0_i32_0 = arith.constant 0 : i32
    return %c0_i32, %arg0 : i32, i32
  }
  func.func @transform_1(%arg0: i32) -> (i32, i32) {
    %c0_i32 = arith.constant 0 : i32
    %c0_i32_0 = arith.constant 0 : i32
    return %arg0, %c0_i32 : i32, i32
  }
}

</mosaic_0001>

<sc_bundles>
// kernel: kernel.4.cloned.1.call-start
scs
__scs_entry_jumppad:
0x0: {  	(pc) =	sbr.rel $0x88, $3  }
0x1: {  	(tag) =	ssettag $0x0;
	lr =	simm.s32 $0x1  }
0x2: {  	[smem:$0x3F9E] =	sst lr;
	_ =	strace $0xD0000000  }
0x3: {  	_ = 	snop  }
0x4: {  	_ = 	snop  }
0x5: {  	_ = 	snop  }
0x6: {  	_ = 	snop  }
0x7: {  	_ = 	snop  }
__scs_overlays_trampoline_lowered:
0x8: {  	[smem:$0x3FAD] =	sst s0  }
0x9: {  	[smem:$0x3FAE] =	sst s1  }
0xa: {  	[smem:$0x3FAF] =	sst s2  }
0xb: {  	[smem:$0x3FB0] =	sst s3  }
0xc: {  	[smem:$0x3FB1] =	sst s4  }
0xd: {  	[smem:$0x3FB2] =	sst s5  }
0xe: {  	[smem:$0x3FB3] =	sst s6  }
0xf: {  	[smem:$0x3FB4] =	sst s7  }
0x10: {  	[smem:$0x3FB5] =	sst s8  }
0x11: {  	[smem:$0x3FB6] =	sst s9;
	s0 =	simm.s32 @!p0 $0x0  }
0x12: {  	s1 =	sld [smem:$0x3F9C];
	s0 =	simm.s32 @p0 $0x1  }
0x13: {  	[smem:$0x3FB7] =	sst s0;
	s0 =	simm.s32 @!p1 $0x0  }
0x14: {  	s2 =	sld [smem:$0x3F9B];
	s0 =	simm.s32 @p1 $0x1  }
0x15: {  	[smem:$0x3FB8] =	sst s0;
	s0 =	simm.s32 @!p2 $0x0  }
0x16: {  	s3 =	sld [smem:$0x3FDB];
	s0 =	simm.s32 @p2 $0x1  }
0x17: {  	s4 =	simm.s32 $0x1BF5;
	[smem:$0x3FBA] =	sst s0  }
0x18: {  	s0 =	sld [smem:$0x3F9D];
	_ =	swait.ge [sflag:s4], $0x0  }
0x19: {  	s7 =	sld [smem:$0x3F9E]  }
0x1a: {  	s8 =	sadd.s32 $0xFFFFE003, lr  }
0x1b: {  	s9 =	sadd.s32 $0xFFFFFEF7, lr;
	s5 =	simm.s32 $0xFFFFFFFF;
	p2 =	slt.u32 s8, $0xFFFFF086  }
0x1c: {  	p1 =	slt.u32 s9, $0xF7A;
	s5 =	simm.s32 @!p2 $0x0  }
0x1d: {  	s5 =	simm.s32 @p1 $0x1;
	p0 =	seq.s32 s7, s2  }
0x1e: {  	s7 =	smul.u32 @!p0 $0xF7A, s2;
	p2 =	seq.s32 @!p0 s5, $0x0  }
0x1f: {  	s9 =	smul.u32 $0xF7A, s1;
	s8 =	simm.s32 @!p0 $0x1BF5;
	p2 =	por !p2, p0  }
0x20: {  	[sflag:s8] =	ssyncset.s32 @!p0 $0xFFFFF086;
	s6 =	sadd.s32 @!p0 s3, s7;
	s7 =	simm.s32 @!p0 $0x108  }
0x21: {  	s3 =	sadd.s32 s3, s9;
	s6 =	sadd.s32 @!p0 $0x88, s6;
	s7 =	simm.s32 @p2 $0x1082  }
0x22: {  	[simem:s7], [sflag:s8] =	dma.local @!p0 [hbm:s6], $0xF7A  }
0x23: {  	s9 =	sor.u32 $0xD0000000, s2;
	s6 =	simm.s32 $0x108;
	_ =	swait.ge @!p0 [sflag:s8], $0x0  }
0x24: {  	s3 =	sadd.s32 $0x88, s3;
	s6 =	simm.s32 @!p1 $0x1082;
	[sflag:s4] =	ssyncset.s32 $0xFFFFF086  }
0x25: {  	[simem:s6], [sflag:s4] =	dma.local [hbm:s3], $0xF7A  }
0x26: {  	[smem:$0x3F9E] =	sst s1;
	(tag) =	ssettag s2;
	_ =	strace s9  }
0x27: {  	s1 =	sld [smem:$0x3FAE]  }
0x28: {  	s2 =	sld [smem:$0x3FAF]  }
0x29: {  	s4 =	sld [smem:$0x3FB1]  }
0x2a: {  	p0 =	seq.s32 s5, $0x0;
	s5 =	sld [smem:$0x3FB2]  }
0x2b: {  	s6 =	sld [smem:$0x3FB3]  }
0x2c: {  	s7 =	sld [smem:$0x3FB4]  }
0x2d: {  	s3 =	simm.s32 $0x108;
	s8 =	sld [smem:$0x3FB5]  }
0x2e: {  	s3 =	simm.s32 @!p0 $0x1082;
	s9 =	sld [smem:$0x3FB6]  }
0x2f: {  	lr =	sadd.s32 s0, s3;
	s0 =	sld [smem:$0x3FAD]  }
0x30: {  	s3 =	sld [smem:$0x3FB0]  }
0x31: {  	[smem:$0x3FB9] =	sst s10  }
0x32: {  	s10 =	sld [smem:$0x3FB7];
	_ =	sdelay $0x3  }
0x33: {  	p0 =	seq.s32 s10, $0x1;
	s10 =	sld [smem:$0x3FB9];
	_ =	sdelay $0x3  }
0x34: {  	[smem:$0x3FB9] =	sst s10  }
0x35: {  	s10 =	sld [smem:$0x3FB8];
	_ =	sdelay $0x3  }
0x36: {  	p1 =	seq.s32 s10, $0x1;
	s10 =	sld [smem:$0x3FB9];
	_ =	sdelay $0x3  }
0x37: {  	[smem:$0x3FB9] =	sst s10  }
0x38: {  	s10 =	sld [smem:$0x3FBA]  }
0x39: {  	_ = 	snop;
	(pc) =	sbr.ind lr, $3  }
0x3a: {  	_ = 	snop  }
0x3b: {  	_ = 	snop  }
0x3c: {  	p2 =	seq.s32 s10, $0x1;
	s10 =	sld [smem:$0x3FB9]  }
0x3d: {  	_ =	shalt  }
0x3e: {  	_ =	shalt  }
0x3f: {  	_ =	shalt  }
0x40: {  	_ =	shalt  }
0x41: {  	_ =	shalt  }
0x42: {  	_ =	shalt  }
0x43: {  	_ =	shalt  }
0x44: {  	_ =	shalt  }
0x45: {  	_ =	shalt  }
0x46: {  	_ =	shalt  }
0x47: {  	_ =	shalt  }
0x48: {  	_ =	shalt  }
0x49: {  	_ =	shalt  }
0x4a: {  	_ =	shalt  }
0x4b: {  	_ =	shalt  }
0x4c: {  	_ =	shalt  }
0x4d: {  	_ =	shalt  }
0x4e: {  	_ =	shalt  }
0x4f: {  	_ =	shalt  }
0x50: {  	_ =	shalt  }
0x51: {  	_ =	shalt  }
0x52: {  	_ =	shalt  }
0x53: {  	_ =	shalt  }
0x54: {  	_ =	shalt  }
0x55: {  	_ =	shalt  }
0x56: {  	_ =	shalt  }
0x57: {  	_ =	shalt  }
0x58: {  	_ =	shalt  }
0x59: {  	_ =	shalt  }
0x5a: {  	_ =	shalt  }
0x5b: {  	_ =	shalt  }
0x5c: {  	_ =	shalt  }
0x5d: {  	_ =	shalt  }
0x5e: {  	_ =	shalt  }
0x5f: {  	_ =	shalt  }
0x60: {  	_ =	shalt  }
0x61: {  	_ =	shalt  }
0x62: {  	_ =	shalt  }
0x63: {  	_ =	shalt  }
0x64: {  	_ =	shalt  }
0x65: {  	_ =	shalt  }
0x66: {  	_ =	shalt  }
0x67: {  	_ =	shalt  }
0x68: {  	_ =	shalt  }
0x69: {  	_ =	shalt  }
0x6a: {  	_ =	shalt  }
0x6b: {  	_ =	shalt  }
0x6c: {  	_ =	shalt  }
0x6d: {  	_ =	shalt  }
0x6e: {  	_ =	shalt  }
0x6f: {  	_ =	shalt  }
0x70: {  	_ =	shalt  }
0x71: {  	_ =	shalt  }
0x72: {  	_ =	shalt  }
0x73: {  	_ =	shalt  }
0x74: {  	_ =	shalt  }
0x75: {  	_ =	shalt  }
0x76: {  	_ =	shalt  }
0x77: {  	_ =	shalt  }
0x78: {  	_ =	shalt  }
0x79: {  	_ =	shalt  }
0x7a: {  	_ =	shalt  }
0x7b: {  	_ =	shalt  }
0x7c: {  	_ =	shalt  }
0x7d: {  	_ =	shalt  }
0x7e: {  	_ =	shalt  }
0x7f: {  	_ =	shalt  }
0x80: {  	_ =	shalt  }
0x81: {  	_ =	shalt  }
0x82: {  	_ =	shalt  }
0x83: {  	_ =	shalt  }
0x84: {  	_ =	shalt  }
0x85: {  	_ =	shalt  }
0x86: {  	_ =	shalt  }
0x87: {  	_ =	shalt  }
.Lfunc_end0:
.L_simem_size_0:
called_computation_lowered:
.L_overlay_start_0:
0x88: {  	s2 =	sld [smem:$0x3FD9]  }
0x89: {  	s3 =	sld [smem:$0x3FFE];
	_ =	sdelay $0x1  }
0x8a: {  	s1 =	srdreg.scid  }
0x8b: {  	s0 =	sand.u32 $0x1, s1  }
0x8c: {  	s17 =	sshll.u32 s0, $0xA;
	s2 =	sadd.s32 s3, s2  }
0x8d: {  	s2 =	sadd.s32 s2, s17  }
0x8e: {  	[smem:$0x3FC5] =	sst s2  }
0x8f: {  	_ = 	snop  }
0x90: {  	s2 =	sld [smem:$0x3FD0];
	(tm) =	ssettm $0x1  }
0x91: {  	s18 =	sld [smem:$0x3FFB];
	_ =	sdelay $0x3  }
0x92: {  	_ =	strace s18  }
0x93: {  	s3 =	sld [smem:$0x3FFC];
	_ =	sdelay $0x3  }
0x94: {  	_ =	strace s3  }
0x95: {  	s3 =	sld [smem:$0x3FFD];
	_ =	sdelay $0x3  }
0x96: {  	_ =	strace s3  }
0x97: {  	_ =	strace $0x8FFFFFFF  }
0x98: {  	s19 =	sld [smem:$0x3FDB];
	_ =	sdelay $0x1  }
0x99: {  	s4 =	simm.s32 $_scs_section_size  }
0x9a: {  	s5 =	simm.s32 $_size__tile_overlayer_lowered;
	s6 =	simm.s32 $_tile_overlayer_lowered  }
0x9b: {  	s22 =	simm.s32 $0x1BFF;
	s21 =	sshll.u32 s6, $0x1;
	s3 =	sadd.s32 s4, s19  }
0x9c: {  	s7 =	simm.s32 $0x0;
	s20 =	sshll.u32 s5, $0x1;
	s5 =	sadd.s32 s21, s3  }
0x9d: {  	[timem:s7], [sflag:s22] =	dma.local [hbm:s5], s20  }
0x9e: {  	_ =	swait.ge [sflag:s22], s20  }
0x9f: {  	s4 =	ssub.s32 $0x0, s20;
	[sflag:s22] =	ssyncset.done $0x0  }
0xa0: {  	[sflag:s22] =	ssyncadd.s32 s4;
	_ =	sdelay $0x1  }
0xa1: {  	s23 =	simm.s32 $0x1B8B  }
0xa2: {  	_ =	swait.ge [sflag:s23], $0x1  }
0xa3: {  	[sflag:s23] =	ssyncset.done $0x0  }
0xa4: {  	s25 =	simm.s32 $0x1B8E;
	s24 =	sld [smem:$0x3FFE];
	[sflag:s23] =	ssyncadd.s32 $0xFFFFFFFF  }
0xa5: {  	s26 =	simm.s32 $execute0_lowered;
	[smem:$0x3FD2] =	sst s25  }
0xa6: {  	s5 =	sshll.u32 s26, $0x1;
	_ =	strace $0x80000046;
	[dreg:$0x1] =	wrdreg $0xFFFFFFFF  }
0xa7: {  	s28 =	simm.s32 $_size_execute0_lowered;
	s3 =	sadd.s32 s3, s5;
	[dreg:$0x0] =	wrdreg $0x0  }
0xa8: {  	s5 =	sshll.u32 s28, $0x1;
	[dreg:$0x2] =	wrdreg s3  }
0xa9: {  	[dreg:$0x3] =	wrdreg s5  }
0xaa: {  	[dreg:$0x4] =	wrdreg $0xC0  }
0xab: {  	_ =	task [dreg:s7], $0x5FFFF  }
0xac: {  	[dreg:$0x1] =	wrdreg $0xFFFFFFFF  }
0xad: {  	[dreg:$0x0] =	wrdreg $0x60  }
0xae: {  	[dreg:$0x2] =	wrdreg s2  }
0xaf: {  	[dreg:$0x3] =	wrdreg s24  }
0xb0: {  	[dreg:$0x4] =	wrdreg $0x9  }
0xb1: {  	_ =	task.clear_ibuf [dreg:s7], $0x5FFFF;
	_ =	strace $0x90000046  }
0xb2: {  	s29 =	simm.s32 $0x9;
	_ =	strace $0x80000048  }
0xb3: {  	_ =	swait.ge [sflag:s29], $0x1  }
0xb4: {  	[sflag:s29] =	ssyncadd.s32 $0xFFFFFFFF  }
0xb5: {  	_ =	strace $0x90000048  }
0xb6: {  	_ =	sfence  }
0xb7: {  	s30 =	sld [smem:$0x0];
	_ =	sdelay $0x2  }
0xb8: {  	s31 =	sshll.u32 s1, $0xD;
	s1 =	sshrl.u32 s1, $0x2  }
0xb9: {  	s3 =	sand.u32 $0x4000, s31;
	s1 =	sadd.s32 s1, s30  }
0xba: {  	s0 =	sor.u32 s3, s0;
	s1 =	sshll.u32 s1, $0x11  }
0xbb: {  	s0 =	sor.u32 s1, s0  }
0xbc: {  	s0 =	sadd.s32 $0x8F2B, s0  }
0xbd: {  	[sflag:s0] =	ssyncadd.remote.s32 $0x1  }
0xbe: {  	_ =	sfence.sel $0xFFFF  }
0xbf: {  	[dreg:$0x0] =	wrdreg $0xFFFFFFFF;
	(pc) =	sbr.abs _section_cstart, $3  }
0xc0: {  	[dreg:$0x1] =	wrdreg $0xFFFFFFFF  }
0xc1: {  	_ =	task.clear_ibuf [dreg:s7], $0x2FFFF;
	_ =	strace $0x9FFFFFFF  }
0xc2: {  	(tm) =	ssettm $0x7FFFFFFF  }
0xc3: {  	_ =	shalt  }
tec
execute0_lowered:
.L_overlay_start_1:
0x0: {  	(tag) =	ssettag $0x1  }
0x1: {  	s0 =	rddreg [dreg:$0x1]  }
0x2: {  	s2 =	simm.s32 $0x0;
	s3 =	srdreg.scid;
	s29 =	stileid.u32  }
0x3: {  	s11 =	simm.s32 $0x2;
	s12 =	simm.s32 $0x1;
	s19 =	simm.s32 $0x9800  }
0x4: {  	s20 =	simm.s32 $0xB100;
	[smem:$0x7FF] =	sst s2;
	s3 =	sand.u32 $0x1, s3  }
0x5: {  	s4 =	sadd.s32 $0x600, s0;
	s1 =	sadd.s32 $0x400, s0;
	s5 =	ssub.s32 $0x2, s3  }
0x6: {  	s6 =	sadd.s32 $0xF42C00, s0;
	s30 =	sshll.u32 s29, $0x8;
	s7 =	sshrl.u32 s5, $0x1  }
0x7: {  	s8 =	sadd.s32 $0xF42F80, s0;
	_ =	strace $0x80000047;
	s5 =	ssub.s32 s5, s7  }
0x8: {  	[dreg:$0x3] =	wrdreg s1;
	s3 =	sshll.u32 s3, $0x7;
	s31 =	smax.u32 s5, $0x1  }
0x9: {  	s1 =	simm.s32 $0x0;
	s7 =	sor.u32 s3, s30;
	[dreg:$0x4] =	wrdreg s31  }
.LBB2_1:
0xa: {  	[dreg:$0x5] =	wrdreg s1  }
0xb: {  	s0 =	rddreg [dreg:$0x3];
	s31 =	simm.s32 $0xCA00  }
0xc: {  	[tilespmem:s31], [sflag:$0x2] =	stream.linear.gather [hbm4b:s0+s2], $0xC80, $0x38;
	[tilespmem:$0xD680] =	vst v63  }
0xd: {  	_ =	swait.ge [sflag:s11], $0xC80  }
0xe: {  	[sflag:s11] =	ssyncset.done $0x0  }
0xf: {  	s22 =	simm.s32 $0x0;
	[sflag:s11] =	ssyncadd.s32 $0xFFFFF380  }
.LBB2_2:
0x10: {  	s0 =	sshll.u32 s22, $0x3  }
0x11: {  	s23 =	sadd.s32 s7, s0  }
0x12: {  	s0 =	smul.u32 $0x32, s23;
	_ =	sdelay $0x1  }
0x13: {  	s1 =	rddreg [dreg:$0x0];
	s0 =	sshrl.u32 s0, $0x3  }
0x14: {  	s25 =	simm.s32 $0x0;
	s0 =	sadd.s32 s1, s0  }
0x15: {  	[tilespmem:s25], [sflag:$0x2] =	stream.linear.gather [hbm4b:s0+s25], $0x190, $0x38;
	[tilespmem:$0xD680] =	vst v63  }
0x16: {  	_ =	swait.ge [sflag:s11], $0x190  }
0x17: {  	[sflag:s11] =	ssyncset.done $0x0  }
0x18: {  	[sflag:s11] =	ssyncadd.s32 $0xFFFFFE70  }
0x19: {  	v0 =	vld [tilespmem:s25+$0x0];
	_ =	sdelay $0x4  }
0x1a: {  	v0 =	vshll.u32 v0, $0x4  }
0x1b: {  	(v2sf) =	vpush v0, $0x0  }
0x1c: {  	(v2sf) =	vpush v0, $0x1  }
0x1d: {  	(v2sf) =	vpush v0, $0x2;
	_ =	sdelay $0x1  }
0x1e: {  	(v2sf) =	vpush v0, $0x4;
	_ =	sdelay $0x1  }
0x1f: {  	(v2sf) =	vpush v0, $0x3  }
0x20: {  	(v2sf) =	vpush v0, $0x5  }
0x21: {  	s26 =	simm.s32 $0x2000;
	s24 =	simm.s32 $0x0;
	(v2sf) =	vpush v0, $0x6  }
.LBB2_3:
0x22: {  	p0 =	sne.s32 s26, $0x30000  }
0x23: {  	s21 =	sadd.s32 $0x280, s24;
	s31 =	sadd.s32 $0x780, s24;
	s28 =	smov.u32 s26  }
0x24: {  	s26 =	sadd.s32 $0x2000, s26;
	s10 =	sadd.s32 $0x580, s24;
	s29 =	sadd.s32 $0x800, s24;
	(v2sf) =	vpush v0, $0x7  }
0x25: {  	s9 =	sadd.s32 $0x480, s24;
	s3 =	sadd.s32 $0x600, s24;
	s30 =	sadd.s32 $0x880, s24  }
0x26: {  	s1 =	sadd.s32 $0x200, s24;
	s13 =	sadd.s32 $0x400, s24;
	(v2sf) =	vpush v0, $0x8  }
0x27: {  	s14 =	sadd.s32 $0x500, s24;
	s25 =	sadd.s32 $0x10, s25  }
0x28: {  	s15 =	sadd.s32 $0x300, s24;
	s0 =	sadd.s32 $0x700, s24;
	s5 =	spop (v2sf);
	(v2sf) =	vpush v0, $0x9  }
0x29: {  	s16 =	sand.u32 $0x1FFFFFF0, s5;
	s5 =	sadd.s32 $0x680, s24;
	s17 =	spop (v2sf)  }
0x2a: {  	s16 =	sadd.s32 s4, s16;
	s17 =	sand.u32 $0x1FFFFFF0, s17;
	s18 =	spop (v2sf);
	(v2sf) =	vpush v0, $0xA  }
0x2b: {  	[tilespmem:s1], [sflag:$0x1] =	stream.linear.gather [hbm4b:s16+s2], $0x80, $0x38;
	[tilespmem:$0xD680] =	vst v63  }
0x2c: {  	s1 =	sadd.s32 s4, s17;
	s16 =	sadd.s32 $0x380, s24;
	s17 =	spop (v2sf);
	(v2sf) =	vpush v0, $0xB  }
0x2d: {  	[tilespmem:s21], [sflag:$0x1] =	stream.linear.gather [hbm4b:s1+s2], $0x80, $0x38;
	[tilespmem:$0xD680] =	vst v63  }
0x2e: {  	s1 =	sand.u32 $0x1FFFFFF0, s18;
	s17 =	sand.u32 $0x1FFFFFF0, s17;
	s18 =	spop (v2sf);
	(v2sf) =	vpush v0, $0xC  }
0x2f: {  	s1 =	sadd.s32 s4, s1;
	s18 =	sand.u32 $0x1FFFFFF0, s18;
	s21 =	spop (v2sf)  }
0x30: {  	[tilespmem:s15], [sflag:$0x1] =	stream.linear.gather [hbm4b:s1+s2], $0x80, $0x38;
	(v2sf) =	vpush v0, $0xD;
	[tilespmem:$0xD680] =	vst v63  }
0x31: {  	s1 =	sadd.s32 s4, s18;
	s15 =	sand.u32 $0x1FFFFFF0, s21;
	s18 =	spop (v2sf)  }
0x32: {  	[tilespmem:s16], [sflag:$0x1] =	stream.linear.gather [hbm4b:s1+s2], $0x80, $0x38;
	(v2sf) =	vpush v0, $0xE;
	[tilespmem:$0xD680] =	vst v63  }
0x33: {  	s1 =	sadd.s32 s4, s17;
	s16 =	sand.u32 $0x1FFFFFF0, s18;
	s17 =	spop (v2sf)  }
0x34: {  	[tilespmem:s13], [sflag:$0x1] =	stream.linear.gather [hbm4b:s1+s2], $0x80, $0x38;
	(v2sf) =	vpush v0, $0xF;
	[tilespmem:$0xD680] =	vst v63  }
0x35: {  	s1 =	sadd.s32 s4, s15;
	s13 =	sand.u32 $0x1FFFFFF0, s17;
	s15 =	spop (v2sf)  }
0x36: {  	[tilespmem:s9], [sflag:$0x1] =	stream.linear.gather [hbm4b:s1+s2], $0x80, $0x38;
	[tilespmem:$0xD680] =	vst v63  }
0x37: {  	s1 =	sadd.s32 s4, s16;
	s9 =	sand.u32 $0x1FFFFFF0, s15;
	s15 =	spop (v2sf)  }
0x38: {  	[tilespmem:s14], [sflag:$0x1] =	stream.linear.gather [hbm4b:s1+s2], $0x80, $0x38;
	[tilespmem:$0xD680] =	vst v63  }
0x39: {  	s1 =	sadd.s32 s4, s13;
	s13 =	sand.u32 $0x1FFFFFF0, s15;
	s14 =	spop (v2sf)  }
0x3a: {  	[tilespmem:s10], [sflag:$0x1] =	stream.linear.gather [hbm4b:s1+s2], $0x80, $0x38;
	[tilespmem:$0xD680] =	vst v63  }
0x3b: {  	s1 =	sadd.s32 s4, s9;
	s9 =	sand.u32 $0x1FFFFFF0, s14;
	s10 =	spop (v2sf)  }
0x3c: {  	[tilespmem:s3], [sflag:$0x1] =	stream.linear.gather [hbm4b:s1+s2], $0x80, $0x38;
	[tilespmem:$0xD680] =	vst v63  }
0x3d: {  	s1 =	sadd.s32 s4, s13;
	s3 =	sand.u32 $0x1FFFFFF0, s10;
	s10 =	spop (v2sf)  }
0x3e: {  	[tilespmem:s5], [sflag:$0x1] =	stream.linear.gather [hbm4b:s1+s2], $0x80, $0x38;
	[tilespmem:$0xD680] =	vst v63  }
0x3f: {  	s1 =	sadd.s32 s4, s9;
	s5 =	sand.u32 $0x1FFFFFF0, s10;
	s9 =	spop (v2sf)  }
0x40: {  	[tilespmem:s0], [sflag:$0x1] =	stream.linear.gather [hbm4b:s1+s2], $0x80, $0x38;
	[tilespmem:$0xD680] =	vst v63  }
0x41: {  	s0 =	sadd.s32 s4, s3;
	s1 =	sand.u32 $0x1FFFFFF0, s9;
	s3 =	spop (v2sf)  }
0x42: {  	[tilespmem:s31], [sflag:$0x1] =	stream.linear.gather [hbm4b:s0+s2], $0x80, $0x38;
	[tilespmem:$0xD680] =	vst v63  }
0x43: {  	s0 =	sadd.s32 s4, s5;
	s3 =	sand.u32 $0x1FFFFFF0, s3;
	s5 =	spop (v2sf)  }
0x44: {  	[tilespmem:s29], [sflag:$0x1] =	stream.linear.gather [hbm4b:s0+s2], $0x80, $0x38;
	[tilespmem:$0xD680] =	vst v63  }
0x45: {  	s0 =	sadd.s32 s4, s1;
	s1 =	sand.u32 $0x1FFFFFF0, s5  }
0x46: {  	[tilespmem:s30], [sflag:$0x1] =	stream.linear.gather [hbm4b:s0+s2], $0x80, $0x38;
	[tilespmem:$0xD680] =	vst v63  }
0x47: {  	s3 =	sadd.s32 s4, s3;
	s0 =	sadd.s32 $0x900, s24  }
0x48: {  	[tilespmem:s0], [sflag:$0x1] =	stream.linear.gather [hbm4b:s3+s2], $0x80, $0x38;
	[tilespmem:$0xD680] =	vst v63  }
0x49: {  	s1 =	sadd.s32 s4, s1;
	s0 =	sadd.s32 $0x980, s24  }
0x4a: {  	[tilespmem:s0], [sflag:$0x1] =	stream.linear.gather [hbm4b:s1+s2], $0x80, $0x38;
	[tilespmem:$0xD680] =	vst v63  }
0x4b: {  	v0 =	vld [tilespmem:s25+$0x0];
	_ =	sdelay $0x4  }
0x4c: {  	v0 =	vshll.u32 v0, $0x4  }
0x4d: {  	(v2sf) =	vpush v0, $0x0  }
0x4e: {  	(v2sf) =	vpush v0, $0x1  }
0x4f: {  	(v2sf) =	vpush v0, $0x2;
	_ =	sdelay $0x1  }
0x50: {  	(v2sf) =	vpush v0, $0x4  }
.Ltmp0:
0x51: {  	(pc) =	sbr.rel @p0 .LBB2_3-.Ltmp0, $3  }
0x52: {  	(v2sf) =	vpush v0, $0x3  }
0x53: {  	(v2sf) =	vpush v0, $0x5;
	_ =	sdelay $0x1  }
0x54: {  	s24 =	sshra.s32 s28, $0x2;
	(v2sf) =	vpush v0, $0x6  }
0x55: {  	_ =	sdelay $0x1  }
0x56: {  	s1 =	sadd.s32 $0x280, s24;
	s10 =	sadd.s32 $0x780, s24  }
0x57: {  	s5 =	sadd.s32 $0x580, s24;
	s0 =	sadd.s32 $0x800, s24;
	(v2sf) =	vpush v0, $0x7;
	s9 =	sadd.s32 $0x480, s24  }
0x58: {  	s13 =	sadd.s32 $0x600, s24;
	s3 =	sadd.s32 $0x880, s24;
	s14 =	sadd.s32 $0x200, s24  }
0x59: {  	s15 =	sadd.s32 $0x400, s24;
	s16 =	sadd.s32 $0x500, s24;
	(v2sf) =	vpush v0, $0x8;
	s17 =	spop (v2sf)  }
0x5a: {  	s18 =	sadd.s32 $0x300, s24;
	s17 =	sand.u32 $0x1FFFFFF0, s17;
	s21 =	spop (v2sf)  }
0x5b: {  	(v2sf) =	vpush v0, $0x9;
	s17 =	sadd.s32 s4, s17;
	s21 =	sand.u32 $0x1FFFFFF0, s21;
	s25 =	spop (v2sf)  }
0x5c: {  	[tilespmem:s14], [sflag:$0x1] =	stream.linear.gather [hbm4b:s17+s2], $0x80, $0x38;
	[tilespmem:$0xD680] =	vst v63  }
0x5d: {  	(v2sf) =	vpush v0, $0xA;
	s26 =	sadd.s32 s4, s21;
	s29 =	sand.u32 $0x1FFFFFF0, s25;
	s28 =	spop (v2sf)  }
0x5e: {  	[tilespmem:s1], [sflag:$0x1] =	stream.linear.gather [hbm4b:s26+s2], $0x80, $0x38;
	[tilespmem:$0xD680] =	vst v63  }
0x5f: {  	s14 =	sadd.s32 $0x700, s24;
	(v2sf) =	vpush v0, $0xB;
	s17 =	sadd.s32 s4, s29;
	s30 =	spop (v2sf)  }
0x60: {  	s1 =	sadd.s32 $0x680, s24;
	s26 =	sadd.s32 $0x380, s24;
	s25 =	sand.u32 $0x1FFFFFF0, s30  }
0x61: {  	(v2sf) =	vpush v0, $0xC;
	[tilespmem:s18], [sflag:$0x1] =	stream.linear.gather [hbm4b:s17+s2], $0x80, $0x38;
	[tilespmem:$0xD680] =	vst v63  }
0x62: {  	s31 =	sand.u32 $0x1FFFFFF0, s28;
	s28 =	spop (v2sf);
	s29 =	sadd.s32 s4, s25  }
0x63: {  	(v2sf) =	vpush v0, $0xD;
	[tilespmem:s26], [sflag:$0x1] =	stream.linear.gather [hbm4b:s29+s2], $0x80, $0x38;
	[tilespmem:$0xD680] =	vst v63  }
0x64: {  	s17 =	sadd.s32 s4, s31;
	s18 =	sand.u32 $0x1FFFFFF0, s28;
	s30 =	spop (v2sf)  }
0x65: {  	(v2sf) =	vpush v0, $0xE;
	[tilespmem:s15], [sflag:$0x1] =	stream.linear.gather [hbm4b:s17+s2], $0x80, $0x38;
	[tilespmem:$0xD680] =	vst v63  }
0x66: {  	s18 =	sadd.s32 s4, s18;
	s31 =	sand.u32 $0x1FFFFFF0, s30;
	s21 =	spop (v2sf)  }
0x67: {  	(v2sf) =	vpush v0, $0xF;
	[tilespmem:s9], [sflag:$0x1] =	stream.linear.gather [hbm4b:s18+s2], $0x80, $0x38;
	[tilespmem:$0xD680] =	vst v63  }
0x68: {  	s25 =	sand.u32 $0x1FFFFFF0, s21;
	s26 =	spop (v2sf);
	s15 =	sadd.s32 s4, s31  }
0x69: {  	[tilespmem:s16], [sflag:$0x1] =	stream.linear.gather [hbm4b:s15+s2], $0x80, $0x38;
	[tilespmem:$0xD680] =	vst v63  }
0x6a: {  	s28 =	sand.u32 $0x1FFFFFF0, s26;
	s9 =	sadd.s32 s4, s25;
	s29 =	spop (v2sf)  }
0x6b: {  	[tilespmem:s5], [sflag:$0x1] =	stream.linear.gather [hbm4b:s9+s2], $0x80, $0x38;
	[tilespmem:$0xD680] =	vst v63  }
0x6c: {  	s15 =	sadd.s32 s4, s28;
	s30 =	sand.u32 $0x1FFFFFF0, s29;
	s31 =	spop (v2sf)  }
0x6d: {  	[tilespmem:s13], [sflag:$0x1] =	stream.linear.gather [hbm4b:s15+s2], $0x80, $0x38;
	[tilespmem:$0xD680] =	vst v63  }
0x6e: {  	s9 =	sand.u32 $0x1FFFFFF0, s31;
	s5 =	sadd.s32 s4, s30;
	s15 =	spop (v2sf)  }
0x6f: {  	[tilespmem:s1], [sflag:$0x1] =	stream.linear.gather [hbm4b:s5+s2], $0x80, $0x38;
	[tilespmem:$0xD680] =	vst v63  }
0x70: {  	s9 =	sadd.s32 s4, s9;
	s16 =	sand.u32 $0x1FFFFFF0, s15;
	s17 =	spop (v2sf)  }
0x71: {  	[tilespmem:s14], [sflag:$0x1] =	stream.linear.gather [hbm4b:s9+s2], $0x80, $0x38;
	[tilespmem:$0xD680] =	vst v63  }
0x72: {  	s1 =	sadd.s32 s4, s16;
	s5 =	sand.u32 $0x1FFFFFF0, s17;
	s18 =	spop (v2sf)  }
0x73: {  	[tilespmem:s10], [sflag:$0x1] =	stream.linear.gather [hbm4b:s1+s2], $0x80, $0x38;
	[tilespmem:$0xD680] =	vst v63  }
0x74: {  	s21 =	sand.u32 $0x1FFFFFF0, s18;
	s5 =	sadd.s32 s4, s5;
	s25 =	spop (v2sf)  }
0x75: {  	[tilespmem:s0], [sflag:$0x1] =	stream.linear.gather [hbm4b:s5+s2], $0x80, $0x38;
	[tilespmem:$0xD680] =	vst v63  }
0x76: {  	s26 =	sand.u32 $0x1FFFFFF0, s25;
	s28 =	spop (v2sf);
	s1 =	sadd.s32 s4, s21  }
0x77: {  	[tilespmem:s3], [sflag:$0x1] =	stream.linear.gather [hbm4b:s1+s2], $0x80, $0x38;
	[tilespmem:$0xD680] =	vst v63  }
0x78: {  	s30 =	sadd.s32 $0x900, s24;
	s29 =	sand.u32 $0x1FFFFFF0, s28;
	s0 =	sadd.s32 s4, s26  }
0x79: {  	[tilespmem:s30], [sflag:$0x1] =	stream.linear.gather [hbm4b:s0+s2], $0x80, $0x38;
	[tilespmem:$0xD680] =	vst v63  }
0x7a: {  	s31 =	sadd.s32 $0x980, s24;
	s1 =	sadd.s32 s4, s29;
	s0 =	simm.s32 $0x190  }
0x7b: {  	[tilespmem:s31], [sflag:$0x1] =	stream.linear.gather [hbm4b:s1+s2], $0x80, $0x38;
	[tilespmem:$0xD680] =	vst v63  }
.LBB2_5:
0x7c: {  	p0 =	sne.s32 s0, $0x1  }
.Ltmp1:
0x7d: {  	_ = 	snop;
	(pc) =	sbr.rel @p0 .LBB2_5-.Ltmp1, $4  }
0x7e: {  	_ = 	snop  }
0x7f: {  	_ =	swait.ge [sflag:s12], $0x80  }
0x80: {  	[sflag:s12] =	ssyncset.done $0x0  }
0x81: {  	s0 =	sadd.s32 $0xFFFFFFFF, s0;
	[sflag:s12] =	ssyncadd.s32 $0xFFFFFF80  }
0x82: {  	s25 =	simm.s32 $0xCA20  }
0x83: {  	v0 =	vld [tilespmem:s25+$0xFFFFFFE0];
	_ =	sdelay $0x3  }
0x84: {  	s24 =	simm.s32 $0x0  }
0x85: {  	[tilespmem:s24+$0xB100] =	vst.add.f32.msk $0xffff, v0  }
0x86: {  	[tilespmem:s24+$0x9800] =	vst.add.f32.msk $0xffff, v0  }
0x87: {  	[tilespmem:s24+$0x7F00] =	vst.add.f32.msk $0xffff, v0  }
0x88: {  	[tilespmem:s24+$0x6600] =	vst.add.f32.msk $0xffff, v0  }
0x89: {  	[tilespmem:s24+$0x4D00] =	vst.add.f32.msk $0xffff, v0  }
0x8a: {  	[tilespmem:s24+$0x3400] =	vst.add.f32.msk $0xffff, v0  }
0x8b: {  	[tilespmem:s24+$0x200] =	vst.add.f32.msk $0xffff, v0  }
0x8c: {  	[tilespmem:s24+$0x1B00] =	vst.add.f32.msk $0xffff, v0  }
0x8d: {  	v0 =	vld [tilespmem:s25+$0xFFFFFFF0];
	_ =	sdelay $0x4  }
0x8e: {  	[tilespmem:s24+$0xB110] =	vst.add.f32.msk $0xffff, v0  }
0x8f: {  	[tilespmem:s24+$0x9810] =	vst.add.f32.msk $0xffff, v0  }
0x90: {  	[tilespmem:s24+$0x1B10] =	vst.add.f32.msk $0xffff, v0  }
0x91: {  	[tilespmem:s24+$0x3410] =	vst.add.f32.msk $0xffff, v0  }
0x92: {  	s28 =	simm.s32 $0x200;
	s26 =	simm.s32 $0xCA20;
	[tilespmem:s24+$0x4D10] =	vst.add.f32.msk $0xffff, v0  }
.LBB2_7:
0x93: {  	p0 =	sne.s32 s28, $0x6200  }
0x94: {  	[tilespmem:s24+$0x6610] =	vst.add.f32.msk $0xffff, v0;
	s25 =	sadd.s32 $0x40, s25;
	s0 =	smov.u32 s28;
	s28 =	sadd.s32 $0x200, s28  }
0x95: {  	[tilespmem:s24+$0x7F10] =	vst.add.f32.msk $0xffff, v0  }
0x96: {  	[tilespmem:s24+$0x210] =	vst.add.f32.msk $0xffff, v0  }
0x97: {  	v0 =	vld [tilespmem:s26+$0x0];
	_ =	sdelay $0x4  }
0x98: {  	[tilespmem:s24+$0xB120] =	vst.add.f32.msk $0xffff, v0  }
0x99: {  	[tilespmem:s24+$0x9820] =	vst.add.f32.msk $0xffff, v0  }
0x9a: {  	[tilespmem:s24+$0x7F20] =	vst.add.f32.msk $0xffff, v0  }
0x9b: {  	[tilespmem:s24+$0x6620] =	vst.add.f32.msk $0xffff, v0  }
0x9c: {  	[tilespmem:s24+$0x1B20] =	vst.add.f32.msk $0xffff, v0  }
0x9d: {  	[tilespmem:s24+$0x4D20] =	vst.add.f32.msk $0xffff, v0  }
0x9e: {  	[tilespmem:s24+$0x3420] =	vst.add.f32.msk $0xffff, v0  }
0x9f: {  	[tilespmem:s24+$0x220] =	vst.add.f32.msk $0xffff, v0  }
0xa0: {  	v0 =	vld [tilespmem:s26+$0x10];
	s26 =	smov.u32 s25;
	_ =	sdelay $0x4  }
0xa1: {  	[tilespmem:s24+$0x230] =	vst.add.f32.msk $0xffff, v0  }
0xa2: {  	[tilespmem:s24+$0xB130] =	vst.add.f32.msk $0xffff, v0  }
0xa3: {  	[tilespmem:s24+$0x3430] =	vst.add.f32.msk $0xffff, v0  }
0xa4: {  	[tilespmem:s24+$0x9830] =	vst.add.f32.msk $0xffff, v0  }
0xa5: {  	[tilespmem:s24+$0x6630] =	vst.add.f32.msk $0xffff, v0  }
0xa6: {  	[tilespmem:s24+$0x7F30] =	vst.add.f32.msk $0xffff, v0  }
0xa7: {  	[tilespmem:s24+$0x1B30] =	vst.add.f32.msk $0xffff, v0  }
0xa8: {  	[tilespmem:s24+$0x4D30] =	vst.add.f32.msk $0xffff, v0  }
0xa9: {  	v0 =	vld [tilespmem:s25+$0xFFFFFFE0];
	_ =	sdelay $0x3  }
0xaa: {  	s24 =	sshra.s32 s0, $0x2  }
0xab: {  	[tilespmem:s24+$0xB100] =	vst.add.f32.msk $0xffff, v0  }
0xac: {  	[tilespmem:s24+$0x9800] =	vst.add.f32.msk $0xffff, v0  }
0xad: {  	[tilespmem:s24+$0x7F00] =	vst.add.f32.msk $0xffff, v0  }
0xae: {  	[tilespmem:s24+$0x6600] =	vst.add.f32.msk $0xffff, v0  }
0xaf: {  	[tilespmem:s24+$0x4D00] =	vst.add.f32.msk $0xffff, v0  }
0xb0: {  	[tilespmem:s24+$0x3400] =	vst.add.f32.msk $0xffff, v0  }
0xb1: {  	[tilespmem:s24+$0x200] =	vst.add.f32.msk $0xffff, v0  }
0xb2: {  	[tilespmem:s24+$0x1B00] =	vst.add.f32.msk $0xffff, v0  }
0xb3: {  	v0 =	vld [tilespmem:s25+$0xFFFFFFF0];
	_ =	sdelay $0x4  }
.Ltmp2:
0xb4: {  	[tilespmem:s24+$0xB110] =	vst.add.f32.msk $0xffff, v0;
	(pc) =	sbr.rel @p0 .LBB2_7-.Ltmp2, $4  }
0xb5: {  	[tilespmem:s24+$0x9810] =	vst.add.f32.msk $0xffff, v0  }
0xb6: {  	[tilespmem:s24+$0x1B10] =	vst.add.f32.msk $0xffff, v0  }
0xb7: {  	[tilespmem:s24+$0x3410] =	vst.add.f32.msk $0xffff, v0  }
0xb8: {  	[tilespmem:s24+$0x4D10] =	vst.add.f32.msk $0xffff, v0  }
0xb9: {  	[tilespmem:s24+$0x6610] =	vst.add.f32.msk $0xffff, v0  }
0xba: {  	[tilespmem:s24+$0x7F10] =	vst.add.f32.msk $0xffff, v0  }
0xbb: {  	[tilespmem:s24+$0x210] =	vst.add.f32.msk $0xffff, v0  }
0xbc: {  	v0 =	vld [tilespmem:s26+$0x0];
	_ =	sdelay $0x4  }
0xbd: {  	[tilespmem:s24+$0xB120] =	vst.add.f32.msk $0xffff, v0  }
0xbe: {  	[tilespmem:s24+$0x9820] =	vst.add.f32.msk $0xffff, v0  }
0xbf: {  	[tilespmem:s24+$0x7F20] =	vst.add.f32.msk $0xffff, v0  }
0xc0: {  	[tilespmem:s24+$0x6620] =	vst.add.f32.msk $0xffff, v0  }
0xc1: {  	[tilespmem:s24+$0x1B20] =	vst.add.f32.msk $0xffff, v0  }
0xc2: {  	[tilespmem:s24+$0x4D20] =	vst.add.f32.msk $0xffff, v0  }
0xc3: {  	[tilespmem:s24+$0x3420] =	vst.add.f32.msk $0xffff, v0  }
0xc4: {  	[tilespmem:s24+$0x220] =	vst.add.f32.msk $0xffff, v0  }
0xc5: {  	v0 =	vld [tilespmem:s26+$0x10];
	_ =	sdelay $0x4  }
0xc6: {  	[tilespmem:s24+$0x230] =	vst.add.f32.msk $0xffff, v0  }
0xc7: {  	[tilespmem:s24+$0xB130] =	vst.add.f32.msk $0xffff, v0  }
0xc8: {  	[tilespmem:s24+$0x3430] =	vst.add.f32.msk $0xffff, v0  }
0xc9: {  	[tilespmem:s24+$0x9830] =	vst.add.f32.msk $0xffff, v0  }
0xca: {  	[tilespmem:s24+$0x6630] =	vst.add.f32.msk $0xffff, v0  }
0xcb: {  	s0 =	smul.u32 $0x380, s23;
	[tilespmem:s24+$0x7F30] =	vst.add.f32.msk $0xffff, v0  }
0xcc: {  	[tilespmem:s24+$0x1B30] =	vst.add.f32.msk $0xffff, v0  }
0xcd: {  	s3 =	simm.s32 $0x200;
	s1 =	sadd.s32 s6, s0;
	[tilespmem:s24+$0x4D30] =	vst.add.f32.msk $0xffff, v0  }
0xce: {  	[hbm4b:s1+s2] =	stream.linear.scatter [tilespmem:s3], [sflag:$0x2], $0x1900, $0x38;
	[tilespmem:$0xD680] =	vst v63  }
0xcf: {  	_ =	swait.ge [sflag:s11], $0x1900  }
0xd0: {  	s16 =	smul.u32 $0x1C00, s23;
	[sflag:s11] =	ssyncset.done $0x0  }
0xd1: {  	s17 =	simm.s32 $0x1B00;
	s0 =	sadd.s32 s0, s8;
	[sflag:s11] =	ssyncadd.s32 $0xFFFFE700  }
0xd2: {  	[hbm4b:s0+s2] =	stream.linear.scatter [tilespmem:s17], [sflag:$0x2], $0x1900, $0x38;
	[tilespmem:$0xD680] =	vst v63  }
0xd3: {  	s18 =	sshrl.u32 s16, $0x3;
	_ =	swait.ge [sflag:s11], $0x1900  }
0xd4: {  	s0 =	sadd.s32 s6, s18;
	[sflag:s11] =	ssyncset.done $0x0  }
0xd5: {  	s23 =	simm.s32 $0x3400;
	s21 =	sadd.s32 $0x700, s0;
	[sflag:s11] =	ssyncadd.s32 $0xFFFFE700  }
0xd6: {  	[hbm4b:s21+s2] =	stream.linear.scatter [tilespmem:s23], [sflag:$0x2], $0x1900, $0x38;
	[tilespmem:$0xD680] =	vst v63  }
0xd7: {  	_ =	swait.ge [sflag:s11], $0x1900  }
0xd8: {  	[sflag:s11] =	ssyncset.done $0x0  }
0xd9: {  	s25 =	simm.s32 $0x4D00;
	s24 =	sadd.s32 $0xA80, s0;
	[sflag:s11] =	ssyncadd.s32 $0xFFFFE700  }
0xda: {  	[hbm4b:s24+s2] =	stream.linear.scatter [tilespmem:s25], [sflag:$0x2], $0x1900, $0x38;
	[tilespmem:$0xD680] =	vst v63  }
0xdb: {  	_ =	swait.ge [sflag:s11], $0x1900  }
0xdc: {  	[sflag:s11] =	ssyncset.done $0x0  }
0xdd: {  	s28 =	simm.s32 $0x6600;
	s26 =	sadd.s32 $0xE00, s0;
	[sflag:s11] =	ssyncadd.s32 $0xFFFFE700  }
0xde: {  	[hbm4b:s26+s2] =	stream.linear.scatter [tilespmem:s28], [sflag:$0x2], $0x1900, $0x38;
	[tilespmem:$0xD680] =	vst v63  }
0xdf: {  	_ =	swait.ge [sflag:s11], $0x1900  }
0xe0: {  	[sflag:s11] =	ssyncset.done $0x0  }
0xe1: {  	s30 =	simm.s32 $0x7F00;
	s29 =	sadd.s32 $0x1180, s0;
	[sflag:s11] =	ssyncadd.s32 $0xFFFFE700  }
0xe2: {  	[hbm4b:s29+s2] =	stream.linear.scatter [tilespmem:s30], [sflag:$0x2], $0x1900, $0x38;
	[tilespmem:$0xD680] =	vst v63  }
0xe3: {  	_ =	swait.ge [sflag:s11], $0x1900  }
0xe4: {  	[sflag:s11] =	ssyncset.done $0x0  }
0xe5: {  	s31 =	sadd.s32 $0x1500, s0;
	[sflag:s11] =	ssyncadd.s32 $0xFFFFE700  }
0xe6: {  	[hbm4b:s31+s2] =	stream.linear.scatter [tilespmem:s19], [sflag:$0x2], $0x1900, $0x38;
	[tilespmem:$0xD680] =	vst v63  }
0xe7: {  	s22 =	sadd.s32 $0x1, s22;
	_ =	swait.ge [sflag:s11], $0x1900  }
0xe8: {  	p0 =	sne.s32 s22, $0x10;
	[sflag:s11] =	ssyncset.done $0x0  }
.Ltmp3:
0xe9: {  	s0 =	sadd.s32 $0x1880, s0;
	[sflag:s11] =	ssyncadd.s32 $0xFFFFE700;
	(pc) =	sbr.rel @p0 .LBB2_2-.Ltmp3, $4  }
0xea: {  	[hbm4b:s0+s2] =	stream.linear.scatter [tilespmem:s20], [sflag:$0x2], $0x1900, $0x38;
	[tilespmem:$0xD680] =	vst v63  }
0xeb: {  	_ =	swait.ge [sflag:s11], $0x1900  }
0xec: {  	[sflag:s11] =	ssyncset.done $0x0  }
0xed: {  	[sflag:s11] =	ssyncadd.s32 $0xFFFFE700  }
0xee: {  	s1 =	rddreg [dreg:$0x5]  }
0xef: {  	s0 =	rddreg [dreg:$0x4];
	s1 =	sadd.s32 $0x1, s1  }
0xf0: {  	p0 =	sne.s32 s1, s0  }
.Ltmp4:
0xf1: {  	_ = 	snop;
	(pc) =	sbr.rel @p0 .LBB2_1-.Ltmp4, $1  }
0xf2: {  	_ =	sdelay $0x3  }
0xf3: {  	_ =	sfence.sel $0x180000  }
0xf4: {  	[bflag:$0x0] =	sbarrier.arrive $0xFFFF  }
0xf5: {  	_ =	strace $0x90000047  }
0xf6: {  	s0 =	stileid.u32;
	[bflag:$0x2] =	sbarrier.arrive $0xFFFF  }
0xf7: {  	p0 =	sne.s32 s0, $0x0;
	s0 =	rddreg [dreg:$0x2]  }
0xf8: {  	s0 =	sadd.s32 @!p0 $0x100000, s0  }
0xf9: {  	[sflag:s0] =	ssyncadd.tile.s32 @!p0 $0x1;
	_ =	shalt  }
.Lfunc_end2:
_tile_overlayer_lowered:
.L_overlay_start_2:
0xfa: {  	(tag) =	ssettag $0x2  }
0xfb: {  	s0 =	rddreg [dreg:$0x0];
	s2 =	stileid.u32  }
0xfc: {  	s1 =	rddreg [dreg:$0x1];
	p0 =	sne.s32 s2, $0x0  }
0xfd: {  	s3 =	rddreg [dreg:$0x2];
	[bflag:$0x3] =	sbarrier.arrive $0xFFFF;
	s2 =	simm.s32 @!p0 $0x1C02  }
0xfe: {  	[timem:s3], [sflag:s2] =	dma.local @!p0 [hbm:s0], s1  }
0xff: {  	s0 =	simm.s32 @!p0 $0x2  }
0x100: {  	_ =	swait.ge @!p0 [sflag:s0], s1  }
0x101: {  	s1 =	ssub.s32 @!p0 $0x0, s1;
	[sflag:s0] =	ssyncset.done @!p0 $0x0  }
0x102: {  	[sflag:s0] =	ssyncadd.s32 @!p0 s1  }
0x103: {  	[bflag:$0x3] =	sbarrier.arrive $0xFFFF  }
0x104: {  	_ =	shalt  }

</sc_bundles>
